<compile_context>
chip_gen: v7x
topology: tpu7x:2x2x1
jax: 0.10.2.dev20260603
libtpu: 0.0.44.dev20260713+nightly
codegen_flags: <defaults>
</compile_context>

<pallas_src>
import functools
import numpy as np
import jax
import jax.numpy as jnp
from jax import lax
from jax.experimental import pallas as pl
from jax.experimental.pallas import tpu as pltpu
from jax.experimental.pallas import tpu_sc as plsc

NC = 2
NS = 16
NW = NC * NS
LANES = 16
BK = 64


def _matmul2_body(x_ref, wl_ref, wr_ref, xl_ref, xr_ref):
    xb = x_ref[...]
    xl_ref[...] = jnp.dot(xb, wl_ref[...], preferred_element_type=jnp.float32)
    xr_ref[...] = jnp.dot(xb, wr_ref[...], preferred_element_type=jnp.float32)


def _edge_body(H, C, BPW, NP, D,
               xl_hbm, xr_hbm, src_hbm, dst_hbm, att_hbm,
               outn_hbm, outd_hbm,
               idx_s, idx_d, idx_den, rows_l, rows_r, msg_p, msg_den, den_st,
               att_v, accn, accd, sem_l, sem_r):
    c = lax.axis_index("c")
    s = lax.axis_index("s")
    wid = s * NC + c
    ND = NP // 8
    stripe = NP // NS
    stripe_d = ND // NS
    zcopies = stripe // BK
    dchunks = stripe_d // LANES

    pltpu.sync_copy(att_hbm, att_v)

    zero = jnp.zeros((LANES,), jnp.float32)

    def zrow(r, carry):
        for t in range(D // LANES):
            msg_den[r, pl.ds(t * LANES, LANES)] = zero
        return carry
    lax.fori_loop(0, BK, zrow, 0)

    def zst(r, carry):
        for t in range(D // LANES):
            den_st[r, pl.ds(t * LANES, LANES)] = zero
        return carry
    lax.fori_loop(0, LANES, zst, 0)

    iota16 = lax.iota(jnp.int32, 16)
    base_row = s * stripe
    base_d = s * stripe_d

    def zacc(k, carry):
        rb = base_row + k * BK

        def oidx(g, c2):
            idx_s[pl.ds(g * LANES, LANES)] = iota16 + (rb + g * LANES)
            return c2
        lax.fori_loop(0, BK // LANES, oidx, 0)
        pltpu.sync_copy(msg_den, accn.at[idx_s])
        return carry
    lax.fori_loop(0, zcopies, zacc, 0)

    def zacc_d(k, carry):
        pltpu.sync_copy(den_st, accd.at[iota16 + (base_d + k * LANES)])
        return carry
    lax.fori_loop(0, dchunks, zacc_d, 0)
    plsc.subcore_barrier()

    att_regs = [att_v[jj, :] for jj in range(D // LANES)]

    ebase = wid * (BPW * BK)

    def block(j, carry):
        off = ebase + j * BK
        pltpu.sync_copy(src_hbm.at[pl.ds(off, BK)], idx_s)
        pltpu.sync_copy(dst_hbm.at[pl.ds(off, BK)], idx_d)
        cl = pltpu.async_copy(xl_hbm.at[idx_s], rows_l, sem_l)
        cr = pltpu.async_copy(xr_hbm.at[idx_d], rows_r, sem_r)

        def shift3(g, carry2):
            v = idx_d[pl.ds(g * LANES, LANES)]
            idx_den[pl.ds(g * LANES, LANES)] = v >> 3
            return carry2
        lax.fori_loop(0, BK // LANES, shift3, 0)

        cl.wait()
        cr.wait()

        def edge_compute(i, carry2):
            av = []
            acc_v = None
            for jj in range(D // LANES):
                a = rows_l[i, pl.ds(jj * LANES, LANES)]
                b = rows_r[i, pl.ds(jj * LANES, LANES)]
                e = a + b
                lr = jnp.maximum(e, 0.2 * e)
                t = lr * att_regs[jj]
                acc_v = t if acc_v is None else acc_v + t
                av.append(a)
            alpha = acc_v + jnp.flip(acc_v, 0)
            p = jnp.exp(alpha)
            for jj in range(D // LANES):
                rows_l[i, pl.ds(jj * LANES, LANES)] = av[jj] * p
            slot = (idx_d[pl.ds(i, 1)][0] & 7) << 4
            msg_den[i, pl.ds(slot, LANES)] = p
            return carry2
        lax.fori_loop(0, BK, edge_compute, 0)

        pltpu.sync_copy(rows_l, accn.at[idx_d], add=True)
        pltpu.sync_copy(msg_den, accd.at[idx_den], add=True)

        zv = jnp.zeros((LANES,), jnp.float32)

        def zslot(i, carry2):
            slot = (idx_d[pl.ds(i, 1)][0] & 7) << 4
            msg_den[i, pl.ds(slot, LANES)] = zv
            return carry2
        lax.fori_loop(0, BK, zslot, 0)
        return carry
    lax.fori_loop(0, BPW, block, 0)

    plsc.subcore_barrier()

    def cout(k, carry):
        rb = base_row + k * BK

        def oidx(g, c2):
            idx_s[pl.ds(g * LANES, LANES)] = iota16 + (rb + g * LANES)
            return c2
        lax.fori_loop(0, BK // LANES, oidx, 0)
        pltpu.sync_copy(accn.at[idx_s], msg_den)
        pltpu.sync_copy(msg_den, outn_hbm.at[c, pl.ds(rb, BK)])
        return carry
    lax.fori_loop(0, zcopies, cout, 0)

    def cout_d(k, carry):
        rd = base_d + k * LANES
        pltpu.sync_copy(accd.at[iota16 + rd], den_st)
        pltpu.sync_copy(den_st, outd_hbm.at[c, pl.ds(rd, LANES)])
        return carry
    lax.fori_loop(0, dchunks, cout_d, 0)


def _epilogue_body(H, C, D,
                   num_ref, den_ref, xl_ref, xr_ref, x_ref,
                   attf_ref, bias_ref, gamma_ref, beta_ref, o_ref):
    mrow = lax.broadcasted_iota(jnp.int32, (D, D), 0)
    ocol = lax.broadcasted_iota(jnp.int32, (D, D), 1)
    ml = mrow % LANES
    mj = mrow // LANES
    o_of_m = jnp.where(ml < 8, ml * 16 + 2 * mj, (15 - ml) * 16 + 2 * mj + 1)
    P = (ocol == o_of_m).astype(jnp.float32)
    num = jnp.dot(num_ref[0] + num_ref[1], P,
                  preferred_element_type=jnp.float32)
    den = den_ref[...]
    xl = jnp.dot(xl_ref[...], P, preferred_element_type=jnp.float32)
    xr = jnp.dot(xr_ref[...], P, preferred_element_type=jnp.float32)
    e = xl + xr
    lr = jnp.maximum(e, 0.2 * e)
    ta = lr * attf_ref[...]
    S = (lax.broadcasted_iota(jnp.int32, (D, LANES), 0) // C
         == lax.broadcasted_iota(jnp.int32, (D, LANES), 1)).astype(jnp.float32)
    ST = (lax.broadcasted_iota(jnp.int32, (LANES, D), 1) // C
          == lax.broadcasted_iota(jnp.int32, (LANES, D), 0)).astype(jnp.float32)
    alpha = jnp.dot(ta, S, preferred_element_type=jnp.float32)
    p = jnp.exp(alpha)
    den = den + p
    p_exp = jnp.dot(p, ST, preferred_element_type=jnp.float32)
    den_exp = jnp.dot(den, ST, preferred_element_type=jnp.float32)
    num = num + p_exp * xl
    z = num / (den_exp + 1e-16) + bias_ref[...]
    z = jnp.where(z > 0, z, jnp.exp(jnp.minimum(z, 0.0)) - 1.0)
    z = z + x_ref[...]
    m = jnp.mean(z, axis=1, keepdims=True)
    d0 = z - m
    var = jnp.mean(d0 * d0, axis=1, keepdims=True)
    o_ref[...] = d0 * lax.rsqrt(var + 1e-5) * gamma_ref[...] + beta_ref[...]


def kernel(x, edge_index, W_l, W_r, att, bias, gamma, beta):
    N, D = x.shape
    H, C = att.shape
    E = edge_index.shape[1]

    ZB = NS * BK
    NP = ((N + 1 + ZB - 1) // ZB) * ZB
    BPW = (E + NW * BK - 1) // (NW * BK)
    EP = NW * BPW * BK

    x_pad = jnp.pad(x, ((0, NP - N), (0, 0)))
    src_p = jnp.concatenate([edge_index[0], jnp.zeros((EP - E,), jnp.int32)])
    dst_p = jnp.concatenate([edge_index[1], jnp.full((EP - E,), N, jnp.int32)])

    ll = np.arange(LANES)
    jj = np.arange(D // LANES)
    perm = np.where(ll[None, :] < 8,
                    ll[None, :] * 16 + 2 * jj[:, None],
                    (15 - ll[None, :]) * 16 + 2 * jj[:, None] + 1)
    perm = jnp.asarray(perm.reshape(-1), dtype=jnp.int32)
    W_l_t = W_l[:, perm]
    W_r_t = W_r[:, perm]
    att_t = att.reshape(-1)[perm].reshape(D // LANES, LANES)

    nb = 256
    xl_pad, xr_pad = pl.pallas_call(
        _matmul2_body,
        grid=(NP // nb,),
        in_specs=[
            pl.BlockSpec((nb, D), lambda i: (i, 0)),
            pl.BlockSpec((D, H * C), lambda i: (0, 0)),
            pl.BlockSpec((D, H * C), lambda i: (0, 0)),
        ],
        out_specs=[pl.BlockSpec((nb, H * C), lambda i: (i, 0))] * 2,
        out_shape=[jax.ShapeDtypeStruct((NP, H * C), jnp.float32)] * 2,
    )(x_pad, W_l_t, W_r_t)

    ND = NP // 8
    mesh = plsc.VectorSubcoreMesh(core_axis_name="c", subcore_axis_name="s")
    edge_pass = pl.kernel(
        functools.partial(_edge_body, H, C, BPW, NP, D),
        out_type=[jax.ShapeDtypeStruct((NC, NP, D), jnp.float32),
                  jax.ShapeDtypeStruct((NC, ND, D), jnp.float32)],
        mesh=mesh,
        scratch_types=[
            pltpu.VMEM((BK,), jnp.int32),
            pltpu.VMEM((BK,), jnp.int32),
            pltpu.VMEM((BK,), jnp.int32),
            pltpu.VMEM((BK, D), jnp.float32),
            pltpu.VMEM((BK, D), jnp.float32),
            pltpu.VMEM((BK, LANES), jnp.float32),
            pltpu.VMEM((BK, D), jnp.float32),
            pltpu.VMEM((LANES, D), jnp.float32),
            pltpu.VMEM((D // LANES, LANES), jnp.float32),
            pltpu.VMEM_SHARED((NP, D), jnp.float32),
            pltpu.VMEM_SHARED((ND, D), jnp.float32),
            pltpu.SemaphoreType.DMA,
            pltpu.SemaphoreType.DMA,
        ],
    )
    num_parts, den_packed = edge_pass(xl_pad, xr_pad, src_p, dst_p, att_t)
    den_full = (den_packed[0] + den_packed[1]).reshape(NP, LANES)

    nb2 = 400
    out = pl.pallas_call(
        functools.partial(_epilogue_body, H, C, D),
        grid=(N // nb2,),
        in_specs=[
            pl.BlockSpec((NC, nb2, D), lambda i: (0, i, 0)),
            pl.BlockSpec((nb2, LANES), lambda i: (i, 0)),
            pl.BlockSpec((nb2, D), lambda i: (i, 0)),
            pl.BlockSpec((nb2, D), lambda i: (i, 0)),
            pl.BlockSpec((nb2, D), lambda i: (i, 0)),
            pl.BlockSpec((1, D), lambda i: (0, 0)),
            pl.BlockSpec((1, D), lambda i: (0, 0)),
            pl.BlockSpec((1, D), lambda i: (0, 0)),
            pl.BlockSpec((1, D), lambda i: (0, 0)),
        ],
        out_specs=pl.BlockSpec((nb2, D), lambda i: (i, 0)),
        out_shape=jax.ShapeDtypeStruct((N, D), jnp.float32),
    )(num_parts, den_full, xl_pad, xr_pad, x,
      att.reshape(1, H * C), bias.reshape(1, D),
      gamma.reshape(1, D), beta.reshape(1, D))
    return out

# --- scband reference (transcript-rebuilt; emitter-appended) ---
"""Pipeline reference for scband-gatv2-layer-89146341195955 (READ-ONLY COPY).

The authoritative reference and input builder live on the scoring server;
editing this copy changes nothing except your own understanding.
"""

import jax, jax.numpy as jnp
import numpy as np

N = 10000
E = 320000
D = 128
H = 8
C = 16  # out_channels // heads


def setup_inputs(seed: int = 0) -> dict:
    key = jax.random.key(seed)
    ks = jax.random.split(key, 8)
    x = jax.random.normal(ks[0], (N, D), dtype=jnp.float32)
    edge_index = jax.random.randint(ks[1], (2, E), 0, N, dtype=jnp.int32)
    s = 1.0 / np.sqrt(D)
    W_l = jax.random.normal(ks[2], (D, H * C), dtype=jnp.float32) * s
    W_r = jax.random.normal(ks[3], (D, H * C), dtype=jnp.float32) * s
    att = jax.random.normal(ks[4], (H, C), dtype=jnp.float32) * (1.0 / np.sqrt(C))
    bias = jnp.zeros((H * C,), dtype=jnp.float32)
    gamma = jnp.ones((D,), dtype=jnp.float32)
    beta = jnp.zeros((D,), dtype=jnp.float32)
    return {"x": x, "edge_index": edge_index, "W_l": W_l, "W_r": W_r, "att": att, "bias": bias, "gamma": gamma, "beta": beta}


def reference(x, edge_index, W_l, W_r, att, bias, gamma, beta):
    n = x.shape[0]
    # add self loops
    loop = jnp.arange(n, dtype=edge_index.dtype)
    src = jnp.concatenate([edge_index[0], loop])
    dst = jnp.concatenate([edge_index[1], loop])
    # GATv2Conv: lin_l applied to source, lin_r to target
    x_l = (x @ W_l).reshape(n, H, C)
    x_r = (x @ W_r).reshape(n, H, C)
    e = x_l[src] + x_r[dst]                       # [Etot, H, C]
    e = jax.nn.leaky_relu(e, negative_slope=0.2)
    alpha = jnp.einsum('ehc,hc->eh', e, att)      # [Etot, H]
    # segment softmax over incoming edges per dst node
    amax = jax.ops.segment_max(alpha, dst, num_segments=n)
    amax = jax.lax.stop_gradient(amax)
    alpha = jnp.exp(alpha - amax[dst])
    denom = jax.ops.segment_sum(alpha, dst, num_segments=n)
    alpha = alpha / (denom[dst] + 1e-16)
    # aggregate messages (dropout is identity in eval mode)
    msg = alpha[:, :, None] * x_l[src]
    out = jax.ops.segment_sum(msg, dst, num_segments=n)
    out = out.reshape(n, H * C) + bias
    out = jax.nn.elu(out)
    out = out + x  # residual (Identity since in_channels == out_channels)
    # LayerNorm
    mean = out.mean(axis=-1, keepdims=True)
    var = out.var(axis=-1, keepdims=True)
    out = (out - mean) / jnp.sqrt(var + 1e-5) * gamma + beta
    return out

if __name__ == "__main__":
    import jax
    _d = setup_inputs()
    print(jax.jit(kernel)(*tuple(_d.values())))

</pallas_src>

<mosaic_0001>
#map = affine_map<(d0, d1) -> (0, 0)>
#map1 = affine_map<(d0, d1) -> (0)>
#map2 = affine_map<(d0, d1) -> (0, 0, 0)>
module attributes {stable_mosaic.version = 14 : i64} {
  func.func @_edge_body(%arg0: i32, %arg1: i32, %arg2: memref<10240x128xf32, #tpu.memory_space<hbm>>, %arg3: memref<10240x128xf32, #tpu.memory_space<hbm>>, %arg4: memref<321536xi32, #tpu.memory_space<hbm>>, %arg5: memref<321536xi32, #tpu.memory_space<hbm>>, %arg6: memref<8x16xf32, #tpu.memory_space<hbm>>, %arg7: memref<2x10240x128xf32, #tpu.memory_space<hbm>>, %arg8: memref<2x1280x128xf32, #tpu.memory_space<hbm>>, %arg9: memref<64xi32, #tpu.memory_space<vmem>>, %arg10: memref<64xi32, #tpu.memory_space<vmem>>, %arg11: memref<64xi32, #tpu.memory_space<vmem>>, %arg12: memref<64x128xf32, #tpu.memory_space<vmem>>, %arg13: memref<64x128xf32, #tpu.memory_space<vmem>>, %arg14: memref<64x16xf32, #tpu.memory_space<vmem>>, %arg15: memref<64x128xf32, #tpu.memory_space<vmem>>, %arg16: memref<16x128xf32, #tpu.memory_space<vmem>>, %arg17: memref<8x16xf32, #tpu.memory_space<vmem>>, %arg18: memref<10240x128xf32, #tpu.memory_space<vmem_shared>>, %arg19: memref<1280x128xf32, #tpu.memory_space<vmem_shared>>, %arg20: memref<!tpu.dma_semaphore, #tpu.memory_space<semaphore_mem>>, %arg21: memref<!tpu.dma_semaphore, #tpu.memory_space<semaphore_mem>>) attributes {dimension_semantics = [#tpu.dimension_semantics<core_parallel>, #tpu.dimension_semantics<subcore_parallel>], iteration_bounds = array<i64: 2, 16>, scalar_prefetch = 0 : i64, scratch_operands = 13 : i64, tpu.core_type = #tpu.core_type<sc_vector_subcore>, window_params = [{transform_indices = #map}, {transform_indices = #map}, {transform_indices = #map1}, {transform_indices = #map1}, {transform_indices = #map}, {transform_indices = #map2}, {transform_indices = #map2}]} {
    %mul3A = arith.constant 2 : i32
    %mul3A_0 = arith.muli %arg1, %mul3A : i32
    %add3A = arith.addi %mul3A_0, %arg0 : i32
    "tpu.region"() ({
      %run_scoped3A = tpu.sem_alloc : memref<!tpu.dma_semaphore, #tpu.memory_space<semaphore_mem>>
      tpu.enqueue_dma source(%arg6 : memref<8x16xf32, #tpu.memory_space<hbm>>) target(%arg17 : memref<8x16xf32, #tpu.memory_space<vmem>>) target_semaphore(%run_scoped3A : memref<!tpu.dma_semaphore, #tpu.memory_space<semaphore_mem>>)
      tpu.wait_dma2 semaphore(%run_scoped3A : memref<!tpu.dma_semaphore, #tpu.memory_space<semaphore_mem>>) src(%arg6 : memref<8x16xf32, #tpu.memory_space<hbm>>) dst(%arg17 : memref<8x16xf32, #tpu.memory_space<vmem>>)
      tpu.yield
    }) : () -> ()
    %broadcast_in_dim3A = arith.constant 0.000000e+00 : f32
    %broadcast_in_dim3A_1 = vector.broadcast %broadcast_in_dim3A : f32 to vector<16xf32>
    %scan3A = arith.constant 0 : i32
    %scan3A_2 = arith.constant 0 : i32
    %scan3A_3 = arith.constant 64 : i32
    %scan3A_4 = arith.addi %scan3A_2, %scan3A_3 : i32
    %scan3A_5 = arith.constant 1 : i32
    scf.for %scan3A_89 = %scan3A_2 to %scan3A_4 step %scan3A_5  : i32 {
      %swap3A = arith.index_cast %scan3A_89 : i32 to index
      %swap3A_90 = arith.constant 0 : index
      %swap3A_91 = tpu.vector_load %arg15[%swap3A, %swap3A_90] {strides = array<i32>} : memref<64x128xf32, #tpu.memory_space<vmem>>, vector<1x16xf32>,
      %swap3A_92 = vector.shape_cast %swap3A_91 : vector<1x16xf32> to vector<16xf32>
      %swap3A_93 = vector.shape_cast %broadcast_in_dim3A_1 : vector<16xf32> to vector<1x16xf32>
      tpu.vector_store %arg15[%swap3A, %swap3A_90], %swap3A_93 {strides = array<i32>} : memref<64x128xf32, #tpu.memory_space<vmem>>, vector<1x16xf32>,
      %swap3A_94 = arith.index_cast %scan3A_89 : i32 to index
      %swap3A_95 = arith.constant 16 : index
      %swap3A_96 = tpu.vector_load %arg15[%swap3A_94, %swap3A_95] {strides = array<i32>} : memref<64x128xf32, #tpu.memory_space<vmem>>, vector<1x16xf32>,
      %swap3A_97 = vector.shape_cast %swap3A_96 : vector<1x16xf32> to vector<16xf32>
      %swap3A_98 = vector.shape_cast %broadcast_in_dim3A_1 : vector<16xf32> to vector<1x16xf32>
      tpu.vector_store %arg15[%swap3A_94, %swap3A_95], %swap3A_98 {strides = array<i32>} : memref<64x128xf32, #tpu.memory_space<vmem>>, vector<1x16xf32>,
      %swap3A_99 = arith.index_cast %scan3A_89 : i32 to index
      %swap3A_100 = arith.constant 32 : index
      %swap3A_101 = tpu.vector_load %arg15[%swap3A_99, %swap3A_100] {strides = array<i32>} : memref<64x128xf32, #tpu.memory_space<vmem>>, vector<1x16xf32>,
      %swap3A_102 = vector.shape_cast %swap3A_101 : vector<1x16xf32> to vector<16xf32>
      %swap3A_103 = vector.shape_cast %broadcast_in_dim3A_1 : vector<16xf32> to vector<1x16xf32>
      tpu.vector_store %arg15[%swap3A_99, %swap3A_100], %swap3A_103 {strides = array<i32>} : memref<64x128xf32, #tpu.memory_space<vmem>>, vector<1x16xf32>,
      %swap3A_104 = arith.index_cast %scan3A_89 : i32 to index
      %swap3A_105 = arith.constant 48 : index
      %swap3A_106 = tpu.vector_load %arg15[%swap3A_104, %swap3A_105] {strides = array<i32>} : memref<64x128xf32, #tpu.memory_space<vmem>>, vector<1x16xf32>,
      %swap3A_107 = vector.shape_cast %swap3A_106 : vector<1x16xf32> to vector<16xf32>
      %swap3A_108 = vector.shape_cast %broadcast_in_dim3A_1 : vector<16xf32> to vector<1x16xf32>
      tpu.vector_store %arg15[%swap3A_104, %swap3A_105], %swap3A_108 {strides = array<i32>} : memref<64x128xf32, #tpu.memory_space<vmem>>, vector<1x16xf32>,
      %swap3A_109 = arith.index_cast %scan3A_89 : i32 to index
      %swap3A_110 = arith.constant 64 : index
      %swap3A_111 = tpu.vector_load %arg15[%swap3A_109, %swap3A_110] {strides = array<i32>} : memref<64x128xf32, #tpu.memory_space<vmem>>, vector<1x16xf32>,
      %swap3A_112 = vector.shape_cast %swap3A_111 : vector<1x16xf32> to vector<16xf32>
      %swap3A_113 = vector.shape_cast %broadcast_in_dim3A_1 : vector<16xf32> to vector<1x16xf32>
      tpu.vector_store %arg15[%swap3A_109, %swap3A_110], %swap3A_113 {strides = array<i32>} : memref<64x128xf32, #tpu.memory_space<vmem>>, vector<1x16xf32>,
      %swap3A_114 = arith.index_cast %scan3A_89 : i32 to index
      %swap3A_115 = arith.constant 80 : index
      %swap3A_116 = tpu.vector_load %arg15[%swap3A_114, %swap3A_115] {strides = array<i32>} : memref<64x128xf32, #tpu.memory_space<vmem>>, vector<1x16xf32>,
      %swap3A_117 = vector.shape_cast %swap3A_116 : vector<1x16xf32> to vector<16xf32>
      %swap3A_118 = vector.shape_cast %broadcast_in_dim3A_1 : vector<16xf32> to vector<1x16xf32>
      tpu.vector_store %arg15[%swap3A_114, %swap3A_115], %swap3A_118 {strides = array<i32>} : memref<64x128xf32, #tpu.memory_space<vmem>>, vector<1x16xf32>,
      %swap3A_119 = arith.index_cast %scan3A_89 : i32 to index
      %swap3A_120 = arith.constant 96 : index
      %swap3A_121 = tpu.vector_load %arg15[%swap3A_119, %swap3A_120] {strides = array<i32>} : memref<64x128xf32, #tpu.memory_space<vmem>>, vector<1x16xf32>,
      %swap3A_122 = vector.shape_cast %swap3A_121 : vector<1x16xf32> to vector<16xf32>
      %swap3A_123 = vector.shape_cast %broadcast_in_dim3A_1 : vector<16xf32> to vector<1x16xf32>
      tpu.vector_store %arg15[%swap3A_119, %swap3A_120], %swap3A_123 {strides = array<i32>} : memref<64x128xf32, #tpu.memory_space<vmem>>, vector<1x16xf32>,
      %swap3A_124 = arith.index_cast %scan3A_89 : i32 to index
      %swap3A_125 = arith.constant 112 : index
      %swap3A_126 = tpu.vector_load %arg15[%swap3A_124, %swap3A_125] {strides = array<i32>} : memref<64x128xf32, #tpu.memory_space<vmem>>, vector<1x16xf32>,
      %swap3A_127 = vector.shape_cast %swap3A_126 : vector<1x16xf32> to vector<16xf32>
      %swap3A_128 = vector.shape_cast %broadcast_in_dim3A_1 : vector<16xf32> to vector<1x16xf32>
      tpu.vector_store %arg15[%swap3A_124, %swap3A_125], %swap3A_128 {strides = array<i32>} : memref<64x128xf32, #tpu.memory_space<vmem>>, vector<1x16xf32>,
    }
    %scan3A_6 = arith.constant 64 : i32
    %scan3A_7 = arith.constant 0 : i32
    %scan3A_8 = arith.constant 0 : i32
    %scan3A_9 = arith.constant 16 : i32
    %scan3A_10 = arith.addi %scan3A_8, %scan3A_9 : i32
    %scan3A_11 = arith.constant 1 : i32
    scf.for %scan3A_89 = %scan3A_8 to %scan3A_10 step %scan3A_11  : i32 {
      %swap3A = arith.index_cast %scan3A_89 : i32 to index
      %swap3A_90 = arith.constant 0 : index
      %swap3A_91 = tpu.vector_load %arg16[%swap3A, %swap3A_90] {strides = array<i32>} : memref<16x128xf32, #tpu.memory_space<vmem>>, vector<1x16xf32>,
      %swap3A_92 = vector.shape_cast %swap3A_91 : vector<1x16xf32> to vector<16xf32>
      %swap3A_93 = vector.shape_cast %broadcast_in_dim3A_1 : vector<16xf32> to vector<1x16xf32>
      tpu.vector_store %arg16[%swap3A, %swap3A_90], %swap3A_93 {strides = array<i32>} : memref<16x128xf32, #tpu.memory_space<vmem>>, vector<1x16xf32>,
      %swap3A_94 = arith.index_cast %scan3A_89 : i32 to index
      %swap3A_95 = arith.constant 16 : index
      %swap3A_96 = tpu.vector_load %arg16[%swap3A_94, %swap3A_95] {strides = array<i32>} : memref<16x128xf32, #tpu.memory_space<vmem>>, vector<1x16xf32>,
      %swap3A_97 = vector.shape_cast %swap3A_96 : vector<1x16xf32> to vector<16xf32>
      %swap3A_98 = vector.shape_cast %broadcast_in_dim3A_1 : vector<16xf32> to vector<1x16xf32>
      tpu.vector_store %arg16[%swap3A_94, %swap3A_95], %swap3A_98 {strides = array<i32>} : memref<16x128xf32, #tpu.memory_space<vmem>>, vector<1x16xf32>,
      %swap3A_99 = arith.index_cast %scan3A_89 : i32 to index
      %swap3A_100 = arith.constant 32 : index
      %swap3A_101 = tpu.vector_load %arg16[%swap3A_99, %swap3A_100] {strides = array<i32>} : memref<16x128xf32, #tpu.memory_space<vmem>>, vector<1x16xf32>,
      %swap3A_102 = vector.shape_cast %swap3A_101 : vector<1x16xf32> to vector<16xf32>
      %swap3A_103 = vector.shape_cast %broadcast_in_dim3A_1 : vector<16xf32> to vector<1x16xf32>
      tpu.vector_store %arg16[%swap3A_99, %swap3A_100], %swap3A_103 {strides = array<i32>} : memref<16x128xf32, #tpu.memory_space<vmem>>, vector<1x16xf32>,
      %swap3A_104 = arith.index_cast %scan3A_89 : i32 to index
      %swap3A_105 = arith.constant 48 : index
      %swap3A_106 = tpu.vector_load %arg16[%swap3A_104, %swap3A_105] {strides = array<i32>} : memref<16x128xf32, #tpu.memory_space<vmem>>, vector<1x16xf32>,
      %swap3A_107 = vector.shape_cast %swap3A_106 : vector<1x16xf32> to vector<16xf32>
      %swap3A_108 = vector.shape_cast %broadcast_in_dim3A_1 : vector<16xf32> to vector<1x16xf32>
      tpu.vector_store %arg16[%swap3A_104, %swap3A_105], %swap3A_108 {strides = array<i32>} : memref<16x128xf32, #tpu.memory_space<vmem>>, vector<1x16xf32>,
      %swap3A_109 = arith.index_cast %scan3A_89 : i32 to index
      %swap3A_110 = arith.constant 64 : index
      %swap3A_111 = tpu.vector_load %arg16[%swap3A_109, %swap3A_110] {strides = array<i32>} : memref<16x128xf32, #tpu.memory_space<vmem>>, vector<1x16xf32>,
      %swap3A_112 = vector.shape_cast %swap3A_111 : vector<1x16xf32> to vector<16xf32>
      %swap3A_113 = vector.shape_cast %broadcast_in_dim3A_1 : vector<16xf32> to vector<1x16xf32>
      tpu.vector_store %arg16[%swap3A_109, %swap3A_110], %swap3A_113 {strides = array<i32>} : memref<16x128xf32, #tpu.memory_space<vmem>>, vector<1x16xf32>,
      %swap3A_114 = arith.index_cast %scan3A_89 : i32 to index
      %swap3A_115 = arith.constant 80 : index
      %swap3A_116 = tpu.vector_load %arg16[%swap3A_114, %swap3A_115] {strides = array<i32>} : memref<16x128xf32, #tpu.memory_space<vmem>>, vector<1x16xf32>,
      %swap3A_117 = vector.shape_cast %swap3A_116 : vector<1x16xf32> to vector<16xf32>
      %swap3A_118 = vector.shape_cast %broadcast_in_dim3A_1 : vector<16xf32> to vector<1x16xf32>
      tpu.vector_store %arg16[%swap3A_114, %swap3A_115], %swap3A_118 {strides = array<i32>} : memref<16x128xf32, #tpu.memory_space<vmem>>, vector<1x16xf32>,
      %swap3A_119 = arith.index_cast %scan3A_89 : i32 to index
      %swap3A_120 = arith.constant 96 : index
      %swap3A_121 = tpu.vector_load %arg16[%swap3A_119, %swap3A_120] {strides = array<i32>} : memref<16x128xf32, #tpu.memory_space<vmem>>, vector<1x16xf32>,
      %swap3A_122 = vector.shape_cast %swap3A_121 : vector<1x16xf32> to vector<16xf32>
      %swap3A_123 = vector.shape_cast %broadcast_in_dim3A_1 : vector<16xf32> to vector<1x16xf32>
      tpu.vector_store %arg16[%swap3A_119, %swap3A_120], %swap3A_123 {strides = array<i32>} : memref<16x128xf32, #tpu.memory_space<vmem>>, vector<1x16xf32>,
      %swap3A_124 = arith.index_cast %scan3A_89 : i32 to index
      %swap3A_125 = arith.constant 112 : index
      %swap3A_126 = tpu.vector_load %arg16[%swap3A_124, %swap3A_125] {strides = array<i32>} : memref<16x128xf32, #tpu.memory_space<vmem>>, vector<1x16xf32>,
      %swap3A_127 = vector.shape_cast %swap3A_126 : vector<1x16xf32> to vector<16xf32>
      %swap3A_128 = vector.shape_cast %broadcast_in_dim3A_1 : vector<16xf32> to vector<1x16xf32>
      tpu.vector_store %arg16[%swap3A_124, %swap3A_125], %swap3A_128 {strides = array<i32>} : memref<16x128xf32, #tpu.memory_space<vmem>>, vector<1x16xf32>,
    }
    %scan3A_12 = arith.constant 16 : i32
    %iota3A = tpu.iota {dimensions = array<i32: 0>} : vector<16xi32>
    %mul3A_13 = arith.constant 640 : i32
    %mul3A_14 = arith.muli %arg1, %mul3A_13 : i32
    %mul3A_15 = arith.constant 80 : i32
    %mul3A_16 = arith.muli %arg1, %mul3A_15 : i32
    %scan3A_17 = arith.constant 0 : i32
    %scan3A_18 = arith.constant 0 : i32
    %scan3A_19 = arith.constant 10 : i32
    %scan3A_20 = arith.addi %scan3A_18, %scan3A_19 : i32
    %scan3A_21 = arith.constant 1 : i32
    scf.for %scan3A_89 = %scan3A_18 to %scan3A_20 step %scan3A_21  : i32 {
      %mul3A_90 = arith.constant 64 : i32
      %mul3A_91 = arith.muli %scan3A_89, %mul3A_90 : i32
      %add3A_92 = arith.addi %mul3A_14, %mul3A_91 : i32
      %scan3A_93 = arith.constant 0 : i32
      %scan3A_94 = arith.constant 0 : i32
      %scan3A_95 = arith.constant 4 : i32
      %scan3A_96 = arith.addi %scan3A_94, %scan3A_95 : i32
      %scan3A_97 = arith.constant 1 : i32
      scf.for %scan3A_99 = %scan3A_94 to %scan3A_96 step %scan3A_97  : i32 {
        %mul3A_100 = arith.constant 16 : i32
        %mul3A_101 = arith.muli %scan3A_99, %mul3A_100 : i32
        %add3A_102 = arith.addi %add3A_92, %mul3A_101 : i32
        %add3A_103 = vector.broadcast %add3A_102 : i32 to vector<16xi32>
        %add3A_104 = arith.addi %iota3A, %add3A_103 : vector<16xi32>
        %mul3A_105 = arith.constant 16 : i32
        %mul3A_106 = arith.muli %scan3A_99, %mul3A_105 : i32
        %swap3A = arith.index_cast %mul3A_106 : i32 to index
        %swap3A_107 = tpu.vector_load %arg9[%swap3A] {strides = array<i32>} : memref<64xi32, #tpu.memory_space<vmem>>, vector<16xi32>,
        %swap3A_108 = vector.shape_cast %swap3A_107 : vector<16xi32> to vector<16xi32>
        %swap3A_109 = vector.shape_cast %add3A_104 : vector<16xi32> to vector<16xi32>
        tpu.vector_store %arg9[%swap3A], %swap3A_109 {strides = array<i32>} : memref<64xi32, #tpu.memory_space<vmem>>, vector<16xi32>,
      }
      %scan3A_98 = arith.constant 4 : i32
      "tpu.region"() ({
        %run_scoped3A = tpu.sem_alloc : memref<!tpu.dma_semaphore, #tpu.memory_space<semaphore_mem>>
        %dma_start3A = arith.constant 0 : i32
        %dma_start3A_99 = arith.constant 0 : i32
        %dma_start3A_100 = tpu.memref_slice %arg18[%dma_start3A, %dma_start3A_99] : memref<10240x128xf32, #tpu.memory_space<vmem_shared>> -> memref<10240x128xf32, #tpu.memory_space<vmem_shared>>
        tpu.enqueue_indirect_dma source(%arg15 : memref<64x128xf32, #tpu.memory_space<vmem>>) target(%dma_start3A_100 : memref<10240x128xf32, #tpu.memory_space<vmem_shared>>) offsets(%arg9 : memref<64xi32, #tpu.memory_space<vmem>>) semaphore(%run_scoped3A : memref<!tpu.dma_semaphore, #tpu.memory_space<semaphore_mem>>)
        %dma_wait3A = arith.constant 0 : i32
        %dma_wait3A_101 = arith.constant 0 : i32
        %dma_wait3A_102 = tpu.memref_slice %arg18[%dma_wait3A, %dma_wait3A_101] : memref<10240x128xf32, #tpu.memory_space<vmem_shared>> -> memref<10240x128xf32, #tpu.memory_space<vmem_shared>>
        tpu.wait_indirect_dma semaphore(%run_scoped3A : memref<!tpu.dma_semaphore, #tpu.memory_space<semaphore_mem>>) src(%arg15 : memref<64x128xf32, #tpu.memory_space<vmem>>) dst(%dma_wait3A_102 : memref<10240x128xf32, #tpu.memory_space<vmem_shared>>)
        tpu.yield
      }) : () -> ()
    }
    %scan3A_22 = arith.constant 10 : i32
    %scan3A_23 = arith.constant 0 : i32
    %scan3A_24 = arith.constant 0 : i32
    %scan3A_25 = arith.constant 5 : i32
    %scan3A_26 = arith.addi %scan3A_24, %scan3A_25 : i32
    %scan3A_27 = arith.constant 1 : i32
    scf.for %scan3A_89 = %scan3A_24 to %scan3A_26 step %scan3A_27  : i32 {
      %mul3A_90 = arith.constant 16 : i32
      %mul3A_91 = arith.muli %scan3A_89, %mul3A_90 : i32
      %add3A_92 = arith.addi %mul3A_16, %mul3A_91 : i32
      %add3A_93 = vector.broadcast %add3A_92 : i32 to vector<16xi32>
      %add3A_94 = arith.addi %iota3A, %add3A_93 : vector<16xi32>
      "tpu.region"() ({
        %run_scoped3A = tpu.sem_alloc : memref<!tpu.dma_semaphore, #tpu.memory_space<semaphore_mem>>
        %dma_start3A = arith.constant 0 : i32
        %dma_start3A_95 = arith.constant 0 : i32
        %dma_start3A_96 = tpu.memref_slice %arg19[%dma_start3A, %dma_start3A_95] : memref<1280x128xf32, #tpu.memory_space<vmem_shared>> -> memref<1280x128xf32, #tpu.memory_space<vmem_shared>>
        tpu.enqueue_indirect_dma source(%arg16 : memref<16x128xf32, #tpu.memory_space<vmem>>) target(%dma_start3A_96 : memref<1280x128xf32, #tpu.memory_space<vmem_shared>>) offsets(%add3A_94 : vector<16xi32>) semaphore(%run_scoped3A : memref<!tpu.dma_semaphore, #tpu.memory_space<semaphore_mem>>)
        %dma_wait3A = arith.constant 0 : i32
        %dma_wait3A_97 = arith.constant 0 : i32
        %dma_wait3A_98 = tpu.memref_slice %arg19[%dma_wait3A, %dma_wait3A_97] : memref<1280x128xf32, #tpu.memory_space<vmem_shared>> -> memref<1280x128xf32, #tpu.memory_space<vmem_shared>>
        tpu.wait_indirect_dma semaphore(%run_scoped3A : memref<!tpu.dma_semaphore, #tpu.memory_space<semaphore_mem>>) src(%arg16 : memref<16x128xf32, #tpu.memory_space<vmem>>) dst(%dma_wait3A_98 : memref<1280x128xf32, #tpu.memory_space<vmem_shared>>)
        tpu.yield
      }) : () -> ()
    }
    %scan3A_28 = arith.constant 5 : i32
    %barrier3A = arith.constant 0 : index
    tpu.barrier barrier_id(%barrier3A)
    %get3A = arith.constant 0 : i32
    %get3A_29 = arith.index_cast %get3A : i32 to index
    %get3A_30 = arith.constant 0 : index
    %get3A_31 = tpu.vector_load %arg17[%get3A_29, %get3A_30] {strides = array<i32>} : memref<8x16xf32, #tpu.memory_space<vmem>>, vector<1x16xf32>,
    %get3A_32 = vector.shape_cast %get3A_31 : vector<1x16xf32> to vector<16xf32>
    %get3A_33 = arith.constant 1 : i32
    %get3A_34 = arith.index_cast %get3A_33 : i32 to index
    %get3A_35 = arith.constant 0 : index
    %get3A_36 = tpu.vector_load %arg17[%get3A_34, %get3A_35] {strides = array<i32>} : memref<8x16xf32, #tpu.memory_space<vmem>>, vector<1x16xf32>,
    %get3A_37 = vector.shape_cast %get3A_36 : vector<1x16xf32> to vector<16xf32>
    %get3A_38 = arith.constant 2 : i32
    %get3A_39 = arith.index_cast %get3A_38 : i32 to index
    %get3A_40 = arith.constant 0 : index
    %get3A_41 = tpu.vector_load %arg17[%get3A_39, %get3A_40] {strides = array<i32>} : memref<8x16xf32, #tpu.memory_space<vmem>>, vector<1x16xf32>,
    %get3A_42 = vector.shape_cast %get3A_41 : vector<1x16xf32> to vector<16xf32>
    %get3A_43 = arith.constant 3 : i32
    %get3A_44 = arith.index_cast %get3A_43 : i32 to index
    %get3A_45 = arith.constant 0 : index
    %get3A_46 = tpu.vector_load %arg17[%get3A_44, %get3A_45] {strides = array<i32>} : memref<8x16xf32, #tpu.memory_space<vmem>>, vector<1x16xf32>,
    %get3A_47 = vector.shape_cast %get3A_46 : vector<1x16xf32> to vector<16xf32>
    %get3A_48 = arith.constant 4 : i32
    %get3A_49 = arith.index_cast %get3A_48 : i32 to index
    %get3A_50 = arith.constant 0 : index
    %get3A_51 = tpu.vector_load %arg17[%get3A_49, %get3A_50] {strides = array<i32>} : memref<8x16xf32, #tpu.memory_space<vmem>>, vector<1x16xf32>,
    %get3A_52 = vector.shape_cast %get3A_51 : vector<1x16xf32> to vector<16xf32>
    %get3A_53 = arith.constant 5 : i32
    %get3A_54 = arith.index_cast %get3A_53 : i32 to index
    %get3A_55 = arith.constant 0 : index
    %get3A_56 = tpu.vector_load %arg17[%get3A_54, %get3A_55] {strides = array<i32>} : memref<8x16xf32, #tpu.memory_space<vmem>>, vector<1x16xf32>,
    %get3A_57 = vector.shape_cast %get3A_56 : vector<1x16xf32> to vector<16xf32>
    %get3A_58 = arith.constant 6 : i32
    %get3A_59 = arith.index_cast %get3A_58 : i32 to index
    %get3A_60 = arith.constant 0 : index
    %get3A_61 = tpu.vector_load %arg17[%get3A_59, %get3A_60] {strides = array<i32>} : memref<8x16xf32, #tpu.memory_space<vmem>>, vector<1x16xf32>,
    %get3A_62 = vector.shape_cast %get3A_61 : vector<1x16xf32> to vector<16xf32>
    %get3A_63 = arith.constant 7 : i32
    %get3A_64 = arith.index_cast %get3A_63 : i32 to index
    %get3A_65 = arith.constant 0 : index
    %get3A_66 = tpu.vector_load %arg17[%get3A_64, %get3A_65] {strides = array<i32>} : memref<8x16xf32, #tpu.memory_space<vmem>>, vector<1x16xf32>,
    %get3A_67 = vector.shape_cast %get3A_66 : vector<1x16xf32> to vector<16xf32>
    %mul3A_68 = arith.constant 10048 : i32
    %mul3A_69 = arith.muli %add3A, %mul3A_68 : i32
    %scan3A_70 = arith.constant 0 : i32
    %scan3A_71 = arith.constant 0 : i32
    %scan3A_72 = arith.constant 157 : i32
    %scan3A_73 = arith.addi %scan3A_71, %scan3A_72 : i32
    %scan3A_74 = arith.constant 1 : i32
    scf.for %scan3A_89 = %scan3A_71 to %scan3A_73 step %scan3A_74  : i32 {
      %mul3A_90 = arith.constant 64 : i32
      %mul3A_91 = arith.muli %scan3A_89, %mul3A_90 : i32
      %add3A_92 = arith.addi %mul3A_69, %mul3A_91 : i32
      "tpu.region"() ({
        %run_scoped3A = tpu.sem_alloc : memref<!tpu.dma_semaphore, #tpu.memory_space<semaphore_mem>>
        %dma_start3A_123 = tpu.memref_slice %arg4[%add3A_92] : memref<321536xi32, #tpu.memory_space<hbm>> -> memref<64xi32, #tpu.memory_space<hbm>>
        %dma_start3A_124 = tpu.memref_slice %arg4[%add3A_92] : memref<321536xi32, #tpu.memory_space<hbm>> -> memref<64xi32, #tpu.memory_space<hbm>>
        tpu.enqueue_dma source(%dma_start3A_124 : memref<64xi32, #tpu.memory_space<hbm>>) target(%arg9 : memref<64xi32, #tpu.memory_space<vmem>>) target_semaphore(%run_scoped3A : memref<!tpu.dma_semaphore, #tpu.memory_space<semaphore_mem>>)
        %dma_wait3A_125 = tpu.memref_slice %arg4[%add3A_92] : memref<321536xi32, #tpu.memory_space<hbm>> -> memref<64xi32, #tpu.memory_space<hbm>>
        %dma_wait3A_126 = tpu.memref_slice %arg4[%add3A_92] : memref<321536xi32, #tpu.memory_space<hbm>> -> memref<64xi32, #tpu.memory_space<hbm>>
        tpu.wait_dma2 semaphore(%run_scoped3A : memref<!tpu.dma_semaphore, #tpu.memory_space<semaphore_mem>>) src(%dma_wait3A_126 : memref<64xi32, #tpu.memory_space<hbm>>) dst(%arg9 : memref<64xi32, #tpu.memory_space<vmem>>)
        tpu.yield
      }) : () -> ()
      "tpu.region"() ({
        %run_scoped3A = tpu.sem_alloc : memref<!tpu.dma_semaphore, #tpu.memory_space<semaphore_mem>>
        %dma_start3A_123 = tpu.memref_slice %arg5[%add3A_92] : memref<321536xi32, #tpu.memory_space<hbm>> -> memref<64xi32, #tpu.memory_space<hbm>>
        %dma_start3A_124 = tpu.memref_slice %arg5[%add3A_92] : memref<321536xi32, #tpu.memory_space<hbm>> -> memref<64xi32, #tpu.memory_space<hbm>>
        tpu.enqueue_dma source(%dma_start3A_124 : memref<64xi32, #tpu.memory_space<hbm>>) target(%arg10 : memref<64xi32, #tpu.memory_space<vmem>>) target_semaphore(%run_scoped3A : memref<!tpu.dma_semaphore, #tpu.memory_space<semaphore_mem>>)
        %dma_wait3A_125 = tpu.memref_slice %arg5[%add3A_92] : memref<321536xi32, #tpu.memory_space<hbm>> -> memref<64xi32, #tpu.memory_space<hbm>>
        %dma_wait3A_126 = tpu.memref_slice %arg5[%add3A_92] : memref<321536xi32, #tpu.memory_space<hbm>> -> memref<64xi32, #tpu.memory_space<hbm>>
        tpu.wait_dma2 semaphore(%run_scoped3A : memref<!tpu.dma_semaphore, #tpu.memory_space<semaphore_mem>>) src(%dma_wait3A_126 : memref<64xi32, #tpu.memory_space<hbm>>) dst(%arg10 : memref<64xi32, #tpu.memory_space<vmem>>)
        tpu.yield
      }) : () -> ()
      %dma_start3A = arith.constant 0 : i32
      %dma_start3A_93 = arith.constant 0 : i32
      %dma_start3A_94 = tpu.memref_slice %arg2[%dma_start3A, %dma_start3A_93] : memref<10240x128xf32, #tpu.memory_space<hbm>> -> memref<10240x128xf32, #tpu.memory_space<hbm>>
      tpu.enqueue_indirect_dma source(%dma_start3A_94 : memref<10240x128xf32, #tpu.memory_space<hbm>>) target(%arg12 : memref<64x128xf32, #tpu.memory_space<vmem>>) offsets(%arg9 : memref<64xi32, #tpu.memory_space<vmem>>) semaphore(%arg20 : memref<!tpu.dma_semaphore, #tpu.memory_space<semaphore_mem>>)
      %dma_start3A_95 = arith.constant 0 : i32
      %dma_start3A_96 = arith.constant 0 : i32
      %dma_start3A_97 = tpu.memref_slice %arg3[%dma_start3A_95, %dma_start3A_96] : memref<10240x128xf32, #tpu.memory_space<hbm>> -> memref<10240x128xf32, #tpu.memory_space<hbm>>
      tpu.enqueue_indirect_dma source(%dma_start3A_97 : memref<10240x128xf32, #tpu.memory_space<hbm>>) target(%arg13 : memref<64x128xf32, #tpu.memory_space<vmem>>) offsets(%arg10 : memref<64xi32, #tpu.memory_space<vmem>>) semaphore(%arg21 : memref<!tpu.dma_semaphore, #tpu.memory_space<semaphore_mem>>)
      %scan3A_98 = arith.constant 0 : i32
      %scan3A_99 = arith.constant 0 : i32
      %scan3A_100 = arith.constant 4 : i32
      %scan3A_101 = arith.addi %scan3A_99, %scan3A_100 : i32
      %scan3A_102 = arith.constant 1 : i32
      scf.for %scan3A_123 = %scan3A_99 to %scan3A_101 step %scan3A_102  : i32 {
        %mul3A_124 = arith.constant 16 : i32
        %mul3A_125 = arith.muli %scan3A_123, %mul3A_124 : i32
        %get3A_126 = arith.index_cast %mul3A_125 : i32 to index
        %get3A_127 = tpu.vector_load %arg10[%get3A_126] {strides = array<i32>} : memref<64xi32, #tpu.memory_space<vmem>>, vector<16xi32>,
        %get3A_128 = vector.shape_cast %get3A_127 : vector<16xi32> to vector<16xi32>
        %shift_right_arithmetic3A = arith.constant 3 : i32
        %shift_right_arithmetic3A_129 = vector.broadcast %shift_right_arithmetic3A : i32 to vector<16xi32>
        %shift_right_arithmetic3A_130 = arith.shrsi %get3A_128, %shift_right_arithmetic3A_129 : vector<16xi32>
        %mul3A_131 = arith.constant 16 : i32
        %mul3A_132 = arith.muli %scan3A_123, %mul3A_131 : i32
        %swap3A = arith.index_cast %mul3A_132 : i32 to index
        %swap3A_133 = tpu.vector_load %arg11[%swap3A] {strides = array<i32>} : memref<64xi32, #tpu.memory_space<vmem>>, vector<16xi32>,
        %swap3A_134 = vector.shape_cast %swap3A_133 : vector<16xi32> to vector<16xi32>
        %swap3A_135 = vector.shape_cast %shift_right_arithmetic3A_130 : vector<16xi32> to vector<16xi32>
        tpu.vector_store %arg11[%swap3A], %swap3A_135 {strides = array<i32>} : memref<64xi32, #tpu.memory_space<vmem>>, vector<16xi32>,
      }
      %scan3A_103 = arith.constant 4 : i32
      %dma_wait3A = arith.constant 0 : i32
      %dma_wait3A_104 = arith.constant 0 : i32
      %dma_wait3A_105 = tpu.memref_slice %arg2[%dma_wait3A, %dma_wait3A_104] : memref<10240x128xf32, #tpu.memory_space<hbm>> -> memref<10240x128xf32, #tpu.memory_space<hbm>>
      tpu.wait_indirect_dma semaphore(%arg20 : memref<!tpu.dma_semaphore, #tpu.memory_space<semaphore_mem>>) src(%dma_wait3A_105 : memref<10240x128xf32, #tpu.memory_space<hbm>>) dst(%arg12 : memref<64x128xf32, #tpu.memory_space<vmem>>)
      %dma_wait3A_106 = arith.constant 0 : i32
      %dma_wait3A_107 = arith.constant 0 : i32
      %dma_wait3A_108 = tpu.memref_slice %arg3[%dma_wait3A_106, %dma_wait3A_107] : memref<10240x128xf32, #tpu.memory_space<hbm>> -> memref<10240x128xf32, #tpu.memory_space<hbm>>
      tpu.wait_indirect_dma semaphore(%arg21 : memref<!tpu.dma_semaphore, #tpu.memory_space<semaphore_mem>>) src(%dma_wait3A_108 : memref<10240x128xf32, #tpu.memory_space<hbm>>) dst(%arg13 : memref<64x128xf32, #tpu.memory_space<vmem>>)
      %scan3A_109 = arith.constant 0 : i32
      %scan3A_110 = arith.constant 0 : i32
      %scan3A_111 = arith.constant 64 : i32
      %scan3A_112 = arith.addi %scan3A_110, %scan3A_111 : i32
      %scan3A_113 = arith.constant 1 : i32
      scf.for %scan3A_123 = %scan3A_110 to %scan3A_112 step %scan3A_113  : i32 {
        %get3A_124 = arith.index_cast %scan3A_123 : i32 to index
        %get3A_125 = arith.constant 0 : index
        %get3A_126 = tpu.vector_load %arg12[%get3A_124, %get3A_125] {strides = array<i32>} : memref<64x128xf32, #tpu.memory_space<vmem>>, vector<1x16xf32>,
        %get3A_127 = vector.shape_cast %get3A_126 : vector<1x16xf32> to vector<16xf32>
        %get3A_128 = arith.index_cast %scan3A_123 : i32 to index
        %get3A_129 = arith.constant 0 : index
        %get3A_130 = tpu.vector_load %arg13[%get3A_128, %get3A_129] {strides = array<i32>} : memref<64x128xf32, #tpu.memory_space<vmem>>, vector<1x16xf32>,
        %get3A_131 = vector.shape_cast %get3A_130 : vector<1x16xf32> to vector<16xf32>
        %add3A_132 = arith.addf %get3A_127, %get3A_131 : vector<16xf32>
        %mul3A_133 = arith.constant 2.000000e-01 : f32
        %mul3A_134 = vector.broadcast %mul3A_133 : f32 to vector<16xf32>
        %mul3A_135 = arith.mulf %mul3A_134, %add3A_132 : vector<16xf32>
        %max3A = arith.maximumf %add3A_132, %mul3A_135 : vector<16xf32>
        %mul3A_136 = arith.mulf %max3A, %get3A_32 : vector<16xf32>
        %get3A_137 = arith.index_cast %scan3A_123 : i32 to index
        %get3A_138 = arith.constant 16 : index
        %get3A_139 = tpu.vector_load %arg12[%get3A_137, %get3A_138] {strides = array<i32>} : memref<64x128xf32, #tpu.memory_space<vmem>>, vector<1x16xf32>,
        %get3A_140 = vector.shape_cast %get3A_139 : vector<1x16xf32> to vector<16xf32>
        %get3A_141 = arith.index_cast %scan3A_123 : i32 to index
        %get3A_142 = arith.constant 16 : index
        %get3A_143 = tpu.vector_load %arg13[%get3A_141, %get3A_142] {strides = array<i32>} : memref<64x128xf32, #tpu.memory_space<vmem>>, vector<1x16xf32>,
        %get3A_144 = vector.shape_cast %get3A_143 : vector<1x16xf32> to vector<16xf32>
        %add3A_145 = arith.addf %get3A_140, %get3A_144 : vector<16xf32>
        %mul3A_146 = arith.constant 2.000000e-01 : f32
        %mul3A_147 = vector.broadcast %mul3A_146 : f32 to vector<16xf32>
        %mul3A_148 = arith.mulf %mul3A_147, %add3A_145 : vector<16xf32>
        %max3A_149 = arith.maximumf %add3A_145, %mul3A_148 : vector<16xf32>
        %mul3A_150 = arith.mulf %max3A_149, %get3A_37 : vector<16xf32>
        %add3A_151 = arith.addf %mul3A_136, %mul3A_150 : vector<16xf32>
        %get3A_152 = arith.index_cast %scan3A_123 : i32 to index
        %get3A_153 = arith.constant 32 : index
        %get3A_154 = tpu.vector_load %arg12[%get3A_152, %get3A_153] {strides = array<i32>} : memref<64x128xf32, #tpu.memory_space<vmem>>, vector<1x16xf32>,
        %get3A_155 = vector.shape_cast %get3A_154 : vector<1x16xf32> to vector<16xf32>
        %get3A_156 = arith.index_cast %scan3A_123 : i32 to index
        %get3A_157 = arith.constant 32 : index
        %get3A_158 = tpu.vector_load %arg13[%get3A_156, %get3A_157] {strides = array<i32>} : memref<64x128xf32, #tpu.memory_space<vmem>>, vector<1x16xf32>,
        %get3A_159 = vector.shape_cast %get3A_158 : vector<1x16xf32> to vector<16xf32>
        %add3A_160 = arith.addf %get3A_155, %get3A_159 : vector<16xf32>
        %mul3A_161 = arith.constant 2.000000e-01 : f32
        %mul3A_162 = vector.broadcast %mul3A_161 : f32 to vector<16xf32>
        %mul3A_163 = arith.mulf %mul3A_162, %add3A_160 : vector<16xf32>
        %max3A_164 = arith.maximumf %add3A_160, %mul3A_163 : vector<16xf32>
        %mul3A_165 = arith.mulf %max3A_164, %get3A_42 : vector<16xf32>
        %add3A_166 = arith.addf %add3A_151, %mul3A_165 : vector<16xf32>
        %get3A_167 = arith.index_cast %scan3A_123 : i32 to index
        %get3A_168 = arith.constant 48 : index
        %get3A_169 = tpu.vector_load %arg12[%get3A_167, %get3A_168] {strides = array<i32>} : memref<64x128xf32, #tpu.memory_space<vmem>>, vector<1x16xf32>,
        %get3A_170 = vector.shape_cast %get3A_169 : vector<1x16xf32> to vector<16xf32>
        %get3A_171 = arith.index_cast %scan3A_123 : i32 to index
        %get3A_172 = arith.constant 48 : index
        %get3A_173 = tpu.vector_load %arg13[%get3A_171, %get3A_172] {strides = array<i32>} : memref<64x128xf32, #tpu.memory_space<vmem>>, vector<1x16xf32>,
        %get3A_174 = vector.shape_cast %get3A_173 : vector<1x16xf32> to vector<16xf32>
        %add3A_175 = arith.addf %get3A_170, %get3A_174 : vector<16xf32>
        %mul3A_176 = arith.constant 2.000000e-01 : f32
        %mul3A_177 = vector.broadcast %mul3A_176 : f32 to vector<16xf32>
        %mul3A_178 = arith.mulf %mul3A_177, %add3A_175 : vector<16xf32>
        %max3A_179 = arith.maximumf %add3A_175, %mul3A_178 : vector<16xf32>
        %mul3A_180 = arith.mulf %max3A_179, %get3A_47 : vector<16xf32>
        %add3A_181 = arith.addf %add3A_166, %mul3A_180 : vector<16xf32>
        %get3A_182 = arith.index_cast %scan3A_123 : i32 to index
        %get3A_183 = arith.constant 64 : index
        %get3A_184 = tpu.vector_load %arg12[%get3A_182, %get3A_183] {strides = array<i32>} : memref<64x128xf32, #tpu.memory_space<vmem>>, vector<1x16xf32>,
        %get3A_185 = vector.shape_cast %get3A_184 : vector<1x16xf32> to vector<16xf32>
        %get3A_186 = arith.index_cast %scan3A_123 : i32 to index
        %get3A_187 = arith.constant 64 : index
        %get3A_188 = tpu.vector_load %arg13[%get3A_186, %get3A_187] {strides = array<i32>} : memref<64x128xf32, #tpu.memory_space<vmem>>, vector<1x16xf32>,
        %get3A_189 = vector.shape_cast %get3A_188 : vector<1x16xf32> to vector<16xf32>
        %add3A_190 = arith.addf %get3A_185, %get3A_189 : vector<16xf32>
        %mul3A_191 = arith.constant 2.000000e-01 : f32
        %mul3A_192 = vector.broadcast %mul3A_191 : f32 to vector<16xf32>
        %mul3A_193 = arith.mulf %mul3A_192, %add3A_190 : vector<16xf32>
        %max3A_194 = arith.maximumf %add3A_190, %mul3A_193 : vector<16xf32>
        %mul3A_195 = arith.mulf %max3A_194, %get3A_52 : vector<16xf32>
        %add3A_196 = arith.addf %add3A_181, %mul3A_195 : vector<16xf32>
        %get3A_197 = arith.index_cast %scan3A_123 : i32 to index
        %get3A_198 = arith.constant 80 : index
        %get3A_199 = tpu.vector_load %arg12[%get3A_197, %get3A_198] {strides = array<i32>} : memref<64x128xf32, #tpu.memory_space<vmem>>, vector<1x16xf32>,
        %get3A_200 = vector.shape_cast %get3A_199 : vector<1x16xf32> to vector<16xf32>
        %get3A_201 = arith.index_cast %scan3A_123 : i32 to index
        %get3A_202 = arith.constant 80 : index
        %get3A_203 = tpu.vector_load %arg13[%get3A_201, %get3A_202] {strides = array<i32>} : memref<64x128xf32, #tpu.memory_space<vmem>>, vector<1x16xf32>,
        %get3A_204 = vector.shape_cast %get3A_203 : vector<1x16xf32> to vector<16xf32>
        %add3A_205 = arith.addf %get3A_200, %get3A_204 : vector<16xf32>
        %mul3A_206 = arith.constant 2.000000e-01 : f32
        %mul3A_207 = vector.broadcast %mul3A_206 : f32 to vector<16xf32>
        %mul3A_208 = arith.mulf %mul3A_207, %add3A_205 : vector<16xf32>
        %max3A_209 = arith.maximumf %add3A_205, %mul3A_208 : vector<16xf32>
        %mul3A_210 = arith.mulf %max3A_209, %get3A_57 : vector<16xf32>
        %add3A_211 = arith.addf %add3A_196, %mul3A_210 : vector<16xf32>
        %get3A_212 = arith.index_cast %scan3A_123 : i32 to index
        %get3A_213 = arith.constant 96 : index
        %get3A_214 = tpu.vector_load %arg12[%get3A_212, %get3A_213] {strides = array<i32>} : memref<64x128xf32, #tpu.memory_space<vmem>>, vector<1x16xf32>,
        %get3A_215 = vector.shape_cast %get3A_214 : vector<1x16xf32> to vector<16xf32>
        %get3A_216 = arith.index_cast %scan3A_123 : i32 to index
        %get3A_217 = arith.constant 96 : index
        %get3A_218 = tpu.vector_load %arg13[%get3A_216, %get3A_217] {strides = array<i32>} : memref<64x128xf32, #tpu.memory_space<vmem>>, vector<1x16xf32>,
        %get3A_219 = vector.shape_cast %get3A_218 : vector<1x16xf32> to vector<16xf32>
        %add3A_220 = arith.addf %get3A_215, %get3A_219 : vector<16xf32>
        %mul3A_221 = arith.constant 2.000000e-01 : f32
        %mul3A_222 = vector.broadcast %mul3A_221 : f32 to vector<16xf32>
        %mul3A_223 = arith.mulf %mul3A_222, %add3A_220 : vector<16xf32>
        %max3A_224 = arith.maximumf %add3A_220, %mul3A_223 : vector<16xf32>
        %mul3A_225 = arith.mulf %max3A_224, %get3A_62 : vector<16xf32>
        %add3A_226 = arith.addf %add3A_211, %mul3A_225 : vector<16xf32>
        %get3A_227 = arith.index_cast %scan3A_123 : i32 to index
        %get3A_228 = arith.constant 112 : index
        %get3A_229 = tpu.vector_load %arg12[%get3A_227, %get3A_228] {strides = array<i32>} : memref<64x128xf32, #tpu.memory_space<vmem>>, vector<1x16xf32>,
        %get3A_230 = vector.shape_cast %get3A_229 : vector<1x16xf32> to vector<16xf32>
        %get3A_231 = arith.index_cast %scan3A_123 : i32 to index
        %get3A_232 = arith.constant 112 : index
        %get3A_233 = tpu.vector_load %arg13[%get3A_231, %get3A_232] {strides = array<i32>} : memref<64x128xf32, #tpu.memory_space<vmem>>, vector<1x16xf32>,
        %get3A_234 = vector.shape_cast %get3A_233 : vector<1x16xf32> to vector<16xf32>
        %add3A_235 = arith.addf %get3A_230, %get3A_234 : vector<16xf32>
        %mul3A_236 = arith.constant 2.000000e-01 : f32
        %mul3A_237 = vector.broadcast %mul3A_236 : f32 to vector<16xf32>
        %mul3A_238 = arith.mulf %mul3A_237, %add3A_235 : vector<16xf32>
        %max3A_239 = arith.maximumf %add3A_235, %mul3A_238 : vector<16xf32>
        %mul3A_240 = arith.mulf %max3A_239, %get3A_67 : vector<16xf32>
        %add3A_241 = arith.addf %add3A_226, %mul3A_240 : vector<16xf32>
        %rev3A = arith.constant 15 : i32
        %rev3A_242 = vector.broadcast %rev3A : i32 to vector<16xi32>
        %rev3A_243 = tpu.iota {dimensions = array<i32: 0>} : vector<16xi32>
        %rev3A_244 = arith.subi %rev3A_242, %rev3A_243 : vector<16xi32>
        %rev3A_245 = tpu.dynamic_gather %add3A_241[%rev3A_244] in [0] : vector<16xf32>, vector<16xi32> -> vector<16xf32>
        %add3A_246 = arith.addf %add3A_241, %rev3A_245 : vector<16xf32>
        %exp3A = math.exp %add3A_246 : vector<16xf32>
        %mul3A_247 = arith.mulf %get3A_127, %exp3A : vector<16xf32>
        %swap3A = arith.index_cast %scan3A_123 : i32 to index
        %swap3A_248 = arith.constant 0 : index
        %swap3A_249 = tpu.vector_load %arg12[%swap3A, %swap3A_248] {strides = array<i32>} : memref<64x128xf32, #tpu.memory_space<vmem>>, vector<1x16xf32>,
        %swap3A_250 = vector.shape_cast %swap3A_249 : vector<1x16xf32> to vector<16xf32>
        %swap3A_251 = vector.shape_cast %mul3A_247 : vector<16xf32> to vector<1x16xf32>
        tpu.vector_store %arg12[%swap3A, %swap3A_248], %swap3A_251 {strides = array<i32>} : memref<64x128xf32, #tpu.memory_space<vmem>>, vector<1x16xf32>,
        %mul3A_252 = arith.mulf %get3A_140, %exp3A : vector<16xf32>
        %swap3A_253 = arith.index_cast %scan3A_123 : i32 to index
        %swap3A_254 = arith.constant 16 : index
        %swap3A_255 = tpu.vector_load %arg12[%swap3A_253, %swap3A_254] {strides = array<i32>} : memref<64x128xf32, #tpu.memory_space<vmem>>, vector<1x16xf32>,
        %swap3A_256 = vector.shape_cast %swap3A_255 : vector<1x16xf32> to vector<16xf32>
        %swap3A_257 = vector.shape_cast %mul3A_252 : vector<16xf32> to vector<1x16xf32>
        tpu.vector_store %arg12[%swap3A_253, %swap3A_254], %swap3A_257 {strides = array<i32>} : memref<64x128xf32, #tpu.memory_space<vmem>>, vector<1x16xf32>,
        %mul3A_258 = arith.mulf %get3A_155, %exp3A : vector<16xf32>
        %swap3A_259 = arith.index_cast %scan3A_123 : i32 to index
        %swap3A_260 = arith.constant 32 : index
        %swap3A_261 = tpu.vector_load %arg12[%swap3A_259, %swap3A_260] {strides = array<i32>} : memref<64x128xf32, #tpu.memory_space<vmem>>, vector<1x16xf32>,
        %swap3A_262 = vector.shape_cast %swap3A_261 : vector<1x16xf32> to vector<16xf32>
        %swap3A_263 = vector.shape_cast %mul3A_258 : vector<16xf32> to vector<1x16xf32>
        tpu.vector_store %arg12[%swap3A_259, %swap3A_260], %swap3A_263 {strides = array<i32>} : memref<64x128xf32, #tpu.memory_space<vmem>>, vector<1x16xf32>,
        %mul3A_264 = arith.mulf %get3A_170, %exp3A : vector<16xf32>
        %swap3A_265 = arith.index_cast %scan3A_123 : i32 to index
        %swap3A_266 = arith.constant 48 : index
        %swap3A_267 = tpu.vector_load %arg12[%swap3A_265, %swap3A_266] {strides = array<i32>} : memref<64x128xf32, #tpu.memory_space<vmem>>, vector<1x16xf32>,
        %swap3A_268 = vector.shape_cast %swap3A_267 : vector<1x16xf32> to vector<16xf32>
        %swap3A_269 = vector.shape_cast %mul3A_264 : vector<16xf32> to vector<1x16xf32>
        tpu.vector_store %arg12[%swap3A_265, %swap3A_266], %swap3A_269 {strides = array<i32>} : memref<64x128xf32, #tpu.memory_space<vmem>>, vector<1x16xf32>,
        %mul3A_270 = arith.mulf %get3A_185, %exp3A : vector<16xf32>
        %swap3A_271 = arith.index_cast %scan3A_123 : i32 to index
        %swap3A_272 = arith.constant 64 : index
        %swap3A_273 = tpu.vector_load %arg12[%swap3A_271, %swap3A_272] {strides = array<i32>} : memref<64x128xf32, #tpu.memory_space<vmem>>, vector<1x16xf32>,
        %swap3A_274 = vector.shape_cast %swap3A_273 : vector<1x16xf32> to vector<16xf32>
        %swap3A_275 = vector.shape_cast %mul3A_270 : vector<16xf32> to vector<1x16xf32>
        tpu.vector_store %arg12[%swap3A_271, %swap3A_272], %swap3A_275 {strides = array<i32>} : memref<64x128xf32, #tpu.memory_space<vmem>>, vector<1x16xf32>,
        %mul3A_276 = arith.mulf %get3A_200, %exp3A : vector<16xf32>
        %swap3A_277 = arith.index_cast %scan3A_123 : i32 to index
        %swap3A_278 = arith.constant 80 : index
        %swap3A_279 = tpu.vector_load %arg12[%swap3A_277, %swap3A_278] {strides = array<i32>} : memref<64x128xf32, #tpu.memory_space<vmem>>, vector<1x16xf32>,
        %swap3A_280 = vector.shape_cast %swap3A_279 : vector<1x16xf32> to vector<16xf32>
        %swap3A_281 = vector.shape_cast %mul3A_276 : vector<16xf32> to vector<1x16xf32>
        tpu.vector_store %arg12[%swap3A_277, %swap3A_278], %swap3A_281 {strides = array<i32>} : memref<64x128xf32, #tpu.memory_space<vmem>>, vector<1x16xf32>,
        %mul3A_282 = arith.mulf %get3A_215, %exp3A : vector<16xf32>
        %swap3A_283 = arith.index_cast %scan3A_123 : i32 to index
        %swap3A_284 = arith.constant 96 : index
        %swap3A_285 = tpu.vector_load %arg12[%swap3A_283, %swap3A_284] {strides = array<i32>} : memref<64x128xf32, #tpu.memory_space<vmem>>, vector<1x16xf32>,
        %swap3A_286 = vector.shape_cast %swap3A_285 : vector<1x16xf32> to vector<16xf32>
        %swap3A_287 = vector.shape_cast %mul3A_282 : vector<16xf32> to vector<1x16xf32>
        tpu.vector_store %arg12[%swap3A_283, %swap3A_284], %swap3A_287 {strides = array<i32>} : memref<64x128xf32, #tpu.memory_space<vmem>>, vector<1x16xf32>,
        %mul3A_288 = arith.mulf %get3A_230, %exp3A : vector<16xf32>
        %swap3A_289 = arith.index_cast %scan3A_123 : i32 to index
        %swap3A_290 = arith.constant 112 : index
        %swap3A_291 = tpu.vector_load %arg12[%swap3A_289, %swap3A_290] {strides = array<i32>} : memref<64x128xf32, #tpu.memory_space<vmem>>, vector<1x16xf32>,
        %swap3A_292 = vector.shape_cast %swap3A_291 : vector<1x16xf32> to vector<16xf32>
        %swap3A_293 = vector.shape_cast %mul3A_288 : vector<16xf32> to vector<1x16xf32>
        tpu.vector_store %arg12[%swap3A_289, %swap3A_290], %swap3A_293 {strides = array<i32>} : memref<64x128xf32, #tpu.memory_space<vmem>>, vector<1x16xf32>,
        %get3A_294 = arith.index_cast %scan3A_123 : i32 to index
        %get3A_295 = tpu.vector_load %arg10[%get3A_294] {strides = array<i32>} : memref<64xi32, #tpu.memory_space<vmem>>, vector<1xi32>,
        %get3A_296 = vector.shape_cast %get3A_295 : vector<1xi32> to vector<1xi32>
        %squeeze3A = vector.extract %get3A_296[0] : i32 from vector<1xi32>
        %and3A = arith.constant 7 : i32
        %and3A_297 = arith.andi %squeeze3A, %and3A : i32
        %shift_left3A = arith.constant 4 : i32
        %shift_left3A_298 = arith.shli %and3A_297, %shift_left3A : i32
        %swap3A_299 = arith.index_cast %scan3A_123 : i32 to index
        %swap3A_300 = arith.index_cast %shift_left3A_298 : i32 to index
        %swap3A_301 = tpu.vector_load %arg15[%swap3A_299, %swap3A_300] {strides = array<i32>} : memref<64x128xf32, #tpu.memory_space<vmem>>, vector<1x16xf32>,
        %swap3A_302 = vector.shape_cast %swap3A_301 : vector<1x16xf32> to vector<16xf32>
        %swap3A_303 = vector.shape_cast %exp3A : vector<16xf32> to vector<1x16xf32>
        tpu.vector_store %arg15[%swap3A_299, %swap3A_300], %swap3A_303 {strides = array<i32>} : memref<64x128xf32, #tpu.memory_space<vmem>>, vector<1x16xf32>,
      }
      %scan3A_114 = arith.constant 64 : i32
      "tpu.region"() ({
        %run_scoped3A = tpu.sem_alloc : memref<!tpu.dma_semaphore, #tpu.memory_space<semaphore_mem>>
        %dma_start3A_123 = arith.constant 0 : i32
        %dma_start3A_124 = arith.constant 0 : i32
        %dma_start3A_125 = tpu.memref_slice %arg18[%dma_start3A_123, %dma_start3A_124] : memref<10240x128xf32, #tpu.memory_space<vmem_shared>> -> memref<10240x128xf32, #tpu.memory_space<vmem_shared>>
        tpu.enqueue_indirect_dma source(%arg12 : memref<64x128xf32, #tpu.memory_space<vmem>>) target(%dma_start3A_125 : memref<10240x128xf32, #tpu.memory_space<vmem_shared>>) offsets(%arg10 : memref<64xi32, #tpu.memory_space<vmem>>) semaphore(%run_scoped3A : memref<!tpu.dma_semaphore, #tpu.memory_space<semaphore_mem>>) {add = true}
        %dma_wait3A_126 = arith.constant 0 : i32
        %dma_wait3A_127 = arith.constant 0 : i32
        %dma_wait3A_128 = tpu.memref_slice %arg18[%dma_wait3A_126, %dma_wait3A_127] : memref<10240x128xf32, #tpu.memory_space<vmem_shared>> -> memref<10240x128xf32, #tpu.memory_space<vmem_shared>>
        tpu.wait_indirect_dma semaphore(%run_scoped3A : memref<!tpu.dma_semaphore, #tpu.memory_space<semaphore_mem>>) src(%arg12 : memref<64x128xf32, #tpu.memory_space<vmem>>) dst(%dma_wait3A_128 : memref<10240x128xf32, #tpu.memory_space<vmem_shared>>)
        tpu.yield
      }) : () -> ()
      "tpu.region"() ({
        %run_scoped3A = tpu.sem_alloc : memref<!tpu.dma_semaphore, #tpu.memory_space<semaphore_mem>>
        %dma_start3A_123 = arith.constant 0 : i32
        %dma_start3A_124 = arith.constant 0 : i32
        %dma_start3A_125 = tpu.memref_slice %arg19[%dma_start3A_123, %dma_start3A_124] : memref<1280x128xf32, #tpu.memory_space<vmem_shared>> -> memref<1280x128xf32, #tpu.memory_space<vmem_shared>>
        tpu.enqueue_indirect_dma source(%arg15 : memref<64x128xf32, #tpu.memory_space<vmem>>) target(%dma_start3A_125 : memref<1280x128xf32, #tpu.memory_space<vmem_shared>>) offsets(%arg11 : memref<64xi32, #tpu.memory_space<vmem>>) semaphore(%run_scoped3A : memref<!tpu.dma_semaphore, #tpu.memory_space<semaphore_mem>>) {add = true}
        %dma_wait3A_126 = arith.constant 0 : i32
        %dma_wait3A_127 = arith.constant 0 : i32
        %dma_wait3A_128 = tpu.memref_slice %arg19[%dma_wait3A_126, %dma_wait3A_127] : memref<1280x128xf32, #tpu.memory_space<vmem_shared>> -> memref<1280x128xf32, #tpu.memory_space<vmem_shared>>
        tpu.wait_indirect_dma semaphore(%run_scoped3A : memref<!tpu.dma_semaphore, #tpu.memory_space<semaphore_mem>>) src(%arg15 : memref<64x128xf32, #tpu.memory_space<vmem>>) dst(%dma_wait3A_128 : memref<1280x128xf32, #tpu.memory_space<vmem_shared>>)
        tpu.yield
      }) : () -> ()
      %broadcast_in_dim3A_115 = arith.constant 0.000000e+00 : f32
      %broadcast_in_dim3A_116 = vector.broadcast %broadcast_in_dim3A_115 : f32 to vector<16xf32>
      %scan3A_117 = arith.constant 0 : i32
      %scan3A_118 = arith.constant 0 : i32
      %scan3A_119 = arith.constant 64 : i32
      %scan3A_120 = arith.addi %scan3A_118, %scan3A_119 : i32
      %scan3A_121 = arith.constant 1 : i32
      scf.for %scan3A_123 = %scan3A_118 to %scan3A_120 step %scan3A_121  : i32 {
        %get3A_124 = arith.index_cast %scan3A_123 : i32 to index
        %get3A_125 = tpu.vector_load %arg10[%get3A_124] {strides = array<i32>} : memref<64xi32, #tpu.memory_space<vmem>>, vector<1xi32>,
        %get3A_126 = vector.shape_cast %get3A_125 : vector<1xi32> to vector<1xi32>
        %squeeze3A = vector.extract %get3A_126[0] : i32 from vector<1xi32>
        %and3A = arith.constant 7 : i32
        %and3A_127 = arith.andi %squeeze3A, %and3A : i32
        %shift_left3A = arith.constant 4 : i32
        %shift_left3A_128 = arith.shli %and3A_127, %shift_left3A : i32
        %swap3A = arith.index_cast %scan3A_123 : i32 to index
        %swap3A_129 = arith.index_cast %shift_left3A_128 : i32 to index
        %swap3A_130 = tpu.vector_load %arg15[%swap3A, %swap3A_129] {strides = array<i32>} : memref<64x128xf32, #tpu.memory_space<vmem>>, vector<1x16xf32>,
        %swap3A_131 = vector.shape_cast %swap3A_130 : vector<1x16xf32> to vector<16xf32>
        %swap3A_132 = vector.shape_cast %broadcast_in_dim3A_116 : vector<16xf32> to vector<1x16xf32>
        tpu.vector_store %arg15[%swap3A, %swap3A_129], %swap3A_132 {strides = array<i32>} : memref<64x128xf32, #tpu.memory_space<vmem>>, vector<1x16xf32>,
      }
      %scan3A_122 = arith.constant 64 : i32
    }
    %scan3A_75 = arith.constant 157 : i32
    %barrier3A_76 = arith.constant 0 : index
    tpu.barrier barrier_id(%barrier3A_76)
    %scan3A_77 = arith.constant 0 : i32
    %scan3A_78 = arith.constant 0 : i32
    %scan3A_79 = arith.constant 10 : i32
    %scan3A_80 = arith.addi %scan3A_78, %scan3A_79 : i32
    %scan3A_81 = arith.constant 1 : i32
    scf.for %scan3A_89 = %scan3A_78 to %scan3A_80 step %scan3A_81  : i32 {
      %mul3A_90 = arith.constant 64 : i32
      %mul3A_91 = arith.muli %scan3A_89, %mul3A_90 : i32
      %add3A_92 = arith.addi %mul3A_14, %mul3A_91 : i32
      %scan3A_93 = arith.constant 0 : i32
      %scan3A_94 = arith.constant 0 : i32
      %scan3A_95 = arith.constant 4 : i32
      %scan3A_96 = arith.addi %scan3A_94, %scan3A_95 : i32
      %scan3A_97 = arith.constant 1 : i32
      scf.for %scan3A_99 = %scan3A_94 to %scan3A_96 step %scan3A_97  : i32 {
        %mul3A_100 = arith.constant 16 : i32
        %mul3A_101 = arith.muli %scan3A_99, %mul3A_100 : i32
        %add3A_102 = arith.addi %add3A_92, %mul3A_101 : i32
        %add3A_103 = vector.broadcast %add3A_102 : i32 to vector<16xi32>
        %add3A_104 = arith.addi %iota3A, %add3A_103 : vector<16xi32>
        %mul3A_105 = arith.constant 16 : i32
        %mul3A_106 = arith.muli %scan3A_99, %mul3A_105 : i32
        %swap3A = arith.index_cast %mul3A_106 : i32 to index
        %swap3A_107 = tpu.vector_load %arg9[%swap3A] {strides = array<i32>} : memref<64xi32, #tpu.memory_space<vmem>>, vector<16xi32>,
        %swap3A_108 = vector.shape_cast %swap3A_107 : vector<16xi32> to vector<16xi32>
        %swap3A_109 = vector.shape_cast %add3A_104 : vector<16xi32> to vector<16xi32>
        tpu.vector_store %arg9[%swap3A], %swap3A_109 {strides = array<i32>} : memref<64xi32, #tpu.memory_space<vmem>>, vector<16xi32>,
      }
      %scan3A_98 = arith.constant 4 : i32
      "tpu.region"() ({
        %run_scoped3A = tpu.sem_alloc : memref<!tpu.dma_semaphore, #tpu.memory_space<semaphore_mem>>
        %dma_start3A = arith.constant 0 : i32
        %dma_start3A_99 = arith.constant 0 : i32
        %dma_start3A_100 = tpu.memref_slice %arg18[%dma_start3A, %dma_start3A_99] : memref<10240x128xf32, #tpu.memory_space<vmem_shared>> -> memref<10240x128xf32, #tpu.memory_space<vmem_shared>>
        tpu.enqueue_indirect_dma source(%dma_start3A_100 : memref<10240x128xf32, #tpu.memory_space<vmem_shared>>) target(%arg15 : memref<64x128xf32, #tpu.memory_space<vmem>>) offsets(%arg9 : memref<64xi32, #tpu.memory_space<vmem>>) semaphore(%run_scoped3A : memref<!tpu.dma_semaphore, #tpu.memory_space<semaphore_mem>>)
        %dma_wait3A = arith.constant 0 : i32
        %dma_wait3A_101 = arith.constant 0 : i32
        %dma_wait3A_102 = tpu.memref_slice %arg18[%dma_wait3A, %dma_wait3A_101] : memref<10240x128xf32, #tpu.memory_space<vmem_shared>> -> memref<10240x128xf32, #tpu.memory_space<vmem_shared>>
        tpu.wait_indirect_dma semaphore(%run_scoped3A : memref<!tpu.dma_semaphore, #tpu.memory_space<semaphore_mem>>) src(%dma_wait3A_102 : memref<10240x128xf32, #tpu.memory_space<vmem_shared>>) dst(%arg15 : memref<64x128xf32, #tpu.memory_space<vmem>>)
        tpu.yield
      }) : () -> ()
      "tpu.region"() ({
        %run_scoped3A = tpu.sem_alloc : memref<!tpu.dma_semaphore, #tpu.memory_space<semaphore_mem>>
        %dma_start3A = arith.constant 0 : i32
        %dma_start3A_99 = tpu.memref_slice %arg7[%arg0, %add3A_92, %dma_start3A] : memref<2x10240x128xf32, #tpu.memory_space<hbm>> -> memref<1x64x128xf32, #tpu.memory_space<hbm>>
        %dma_start3A_100 = tpu.memref_squeeze %dma_start3A_99 : memref<1x64x128xf32, #tpu.memory_space<hbm>> -> memref<64x128xf32, #tpu.memory_space<hbm>>
        %dma_start3A_101 = arith.constant 0 : i32
        %dma_start3A_102 = tpu.memref_slice %arg7[%arg0, %add3A_92, %dma_start3A_101] : memref<2x10240x128xf32, #tpu.memory_space<hbm>> -> memref<1x64x128xf32, #tpu.memory_space<hbm>>
        %dma_start3A_103 = tpu.memref_squeeze %dma_start3A_102 : memref<1x64x128xf32, #tpu.memory_space<hbm>> -> memref<64x128xf32, #tpu.memory_space<hbm>>
        tpu.enqueue_dma source(%arg15 : memref<64x128xf32, #tpu.memory_space<vmem>>) target(%dma_start3A_103 : memref<64x128xf32, #tpu.memory_space<hbm>>) target_semaphore(%run_scoped3A : memref<!tpu.dma_semaphore, #tpu.memory_space<semaphore_mem>>)
        %dma_wait3A = arith.constant 0 : i32
        %dma_wait3A_104 = tpu.memref_slice %arg7[%arg0, %add3A_92, %dma_wait3A] : memref<2x10240x128xf32, #tpu.memory_space<hbm>> -> memref<1x64x128xf32, #tpu.memory_space<hbm>>
        %dma_wait3A_105 = tpu.memref_squeeze %dma_wait3A_104 : memref<1x64x128xf32, #tpu.memory_space<hbm>> -> memref<64x128xf32, #tpu.memory_space<hbm>>
        %dma_wait3A_106 = arith.constant 0 : i32
        %dma_wait3A_107 = tpu.memref_slice %arg7[%arg0, %add3A_92, %dma_wait3A_106] : memref<2x10240x128xf32, #tpu.memory_space<hbm>> -> memref<1x64x128xf32, #tpu.memory_space<hbm>>
        %dma_wait3A_108 = tpu.memref_squeeze %dma_wait3A_107 : memref<1x64x128xf32, #tpu.memory_space<hbm>> -> memref<64x128xf32, #tpu.memory_space<hbm>>
        tpu.wait_dma2 semaphore(%run_scoped3A : memref<!tpu.dma_semaphore, #tpu.memory_space<semaphore_mem>>) src(%arg15 : memref<64x128xf32, #tpu.memory_space<vmem>>) dst(%dma_wait3A_108 : memref<64x128xf32, #tpu.memory_space<hbm>>)
        tpu.yield
      }) : () -> ()
    }
    %scan3A_82 = arith.constant 10 : i32
    %scan3A_83 = arith.constant 0 : i32
    %scan3A_84 = arith.constant 0 : i32
    %scan3A_85 = arith.constant 5 : i32
    %scan3A_86 = arith.addi %scan3A_84, %scan3A_85 : i32
    %scan3A_87 = arith.constant 1 : i32
    scf.for %scan3A_89 = %scan3A_84 to %scan3A_86 step %scan3A_87  : i32 {
      %mul3A_90 = arith.constant 16 : i32
      %mul3A_91 = arith.muli %scan3A_89, %mul3A_90 : i32
      %add3A_92 = arith.addi %mul3A_16, %mul3A_91 : i32
      %add3A_93 = vector.broadcast %add3A_92 : i32 to vector<16xi32>
      %add3A_94 = arith.addi %iota3A, %add3A_93 : vector<16xi32>
      "tpu.region"() ({
        %run_scoped3A = tpu.sem_alloc : memref<!tpu.dma_semaphore, #tpu.memory_space<semaphore_mem>>
        %dma_start3A = arith.constant 0 : i32
        %dma_start3A_95 = arith.constant 0 : i32
        %dma_start3A_96 = tpu.memref_slice %arg19[%dma_start3A, %dma_start3A_95] : memref<1280x128xf32, #tpu.memory_space<vmem_shared>> -> memref<1280x128xf32, #tpu.memory_space<vmem_shared>>
        tpu.enqueue_indirect_dma source(%dma_start3A_96 : memref<1280x128xf32, #tpu.memory_space<vmem_shared>>) target(%arg16 : memref<16x128xf32, #tpu.memory_space<vmem>>) offsets(%add3A_94 : vector<16xi32>) semaphore(%run_scoped3A : memref<!tpu.dma_semaphore, #tpu.memory_space<semaphore_mem>>)
        %dma_wait3A = arith.constant 0 : i32
        %dma_wait3A_97 = arith.constant 0 : i32
        %dma_wait3A_98 = tpu.memref_slice %arg19[%dma_wait3A, %dma_wait3A_97] : memref<1280x128xf32, #tpu.memory_space<vmem_shared>> -> memref<1280x128xf32, #tpu.memory_space<vmem_shared>>
        tpu.wait_indirect_dma semaphore(%run_scoped3A : memref<!tpu.dma_semaphore, #tpu.memory_space<semaphore_mem>>) src(%dma_wait3A_98 : memref<1280x128xf32, #tpu.memory_space<vmem_shared>>) dst(%arg16 : memref<16x128xf32, #tpu.memory_space<vmem>>)
        tpu.yield
      }) : () -> ()
      "tpu.region"() ({
        %run_scoped3A = tpu.sem_alloc : memref<!tpu.dma_semaphore, #tpu.memory_space<semaphore_mem>>
        %dma_start3A = arith.constant 0 : i32
        %dma_start3A_95 = tpu.memref_slice %arg8[%arg0, %add3A_92, %dma_start3A] : memref<2x1280x128xf32, #tpu.memory_space<hbm>> -> memref<1x16x128xf32, #tpu.memory_space<hbm>>
        %dma_start3A_96 = tpu.memref_squeeze %dma_start3A_95 : memref<1x16x128xf32, #tpu.memory_space<hbm>> -> memref<16x128xf32, #tpu.memory_space<hbm>>
        %dma_start3A_97 = arith.constant 0 : i32
        %dma_start3A_98 = tpu.memref_slice %arg8[%arg0, %add3A_92, %dma_start3A_97] : memref<2x1280x128xf32, #tpu.memory_space<hbm>> -> memref<1x16x128xf32, #tpu.memory_space<hbm>>
        %dma_start3A_99 = tpu.memref_squeeze %dma_start3A_98 : memref<1x16x128xf32, #tpu.memory_space<hbm>> -> memref<16x128xf32, #tpu.memory_space<hbm>>
        tpu.enqueue_dma source(%arg16 : memref<16x128xf32, #tpu.memory_space<vmem>>) target(%dma_start3A_99 : memref<16x128xf32, #tpu.memory_space<hbm>>) target_semaphore(%run_scoped3A : memref<!tpu.dma_semaphore, #tpu.memory_space<semaphore_mem>>)
        %dma_wait3A = arith.constant 0 : i32
        %dma_wait3A_100 = tpu.memref_slice %arg8[%arg0, %add3A_92, %dma_wait3A] : memref<2x1280x128xf32, #tpu.memory_space<hbm>> -> memref<1x16x128xf32, #tpu.memory_space<hbm>>
        %dma_wait3A_101 = tpu.memref_squeeze %dma_wait3A_100 : memref<1x16x128xf32, #tpu.memory_space<hbm>> -> memref<16x128xf32, #tpu.memory_space<hbm>>
        %dma_wait3A_102 = arith.constant 0 : i32
        %dma_wait3A_103 = tpu.memref_slice %arg8[%arg0, %add3A_92, %dma_wait3A_102] : memref<2x1280x128xf32, #tpu.memory_space<hbm>> -> memref<1x16x128xf32, #tpu.memory_space<hbm>>
        %dma_wait3A_104 = tpu.memref_squeeze %dma_wait3A_103 : memref<1x16x128xf32, #tpu.memory_space<hbm>> -> memref<16x128xf32, #tpu.memory_space<hbm>>
        tpu.wait_dma2 semaphore(%run_scoped3A : memref<!tpu.dma_semaphore, #tpu.memory_space<semaphore_mem>>) src(%arg16 : memref<16x128xf32, #tpu.memory_space<vmem>>) dst(%dma_wait3A_104 : memref<16x128xf32, #tpu.memory_space<hbm>>)
        tpu.yield
      }) : () -> ()
    }
    %scan3A_88 = arith.constant 5 : i32
    return
  }
}

module attributes {stable_mosaic.version = 14 : i64} {
  func.func @_matmul2_body(%arg0: i32, %arg1: memref<256x128xf32, #tpu.memory_space<vmem>>, %arg2: memref<128x128xf32, #tpu.memory_space<vmem>>, %arg3: memref<128x128xf32, #tpu.memory_space<vmem>>, %arg4: memref<256x128xf32, #tpu.memory_space<vmem>>, %arg5: memref<256x128xf32, #tpu.memory_space<vmem>>) attributes {dimension_semantics = [#tpu.dimension_semantics<arbitrary>], iteration_bounds = array<i64: 40>, scalar_prefetch = 0 : i64, scratch_operands = 0 : i64, tpu.core_type = #tpu.core_type<tc>, window_params = [{transform_indices = @transform_0, window_bounds = array<i64: 256, 128>}, {pipeline_mode = #tpu.pipeline_mode<synchronous>, transform_indices = @transform_1, window_bounds = array<i64: 128, 128>}, {pipeline_mode = #tpu.pipeline_mode<synchronous>, transform_indices = @transform_2, window_bounds = array<i64: 128, 128>}, {transform_indices = @transform_3, window_bounds = array<i64: 256, 128>}, {transform_indices = @transform_4, window_bounds = array<i64: 256, 128>}]} {
    %get3A = arith.constant 0 : index
    %get3A_0 = arith.constant 0 : index
    %get3A_1 = vector.load %arg1[%get3A, %get3A_0] : memref<256x128xf32, #tpu.memory_space<vmem>>, vector<256x128xf32>
    %get3A_2 = arith.constant 0 : index
    %get3A_3 = arith.constant 0 : index
    %get3A_4 = vector.load %arg2[%get3A_2, %get3A_3] : memref<128x128xf32, #tpu.memory_space<vmem>>, vector<128x128xf32>
    %dot_general3A = arith.constant dense<0.000000e+00> : vector<256x128xf32>
    %dot_general3A_5 = tpu.matmul %get3A_1, %get3A_4, %dot_general3A {dimension_numbers = #tpu.dot_dimension_numbers<[1], [0], [0], [1], [0, 0, 1, 1], [], []>, transpose_lhs_hint = false} : vector<256x128xf32>, vector<128x128xf32>, vector<256x128xf32> -> vector<256x128xf32>
    %swap3A = arith.constant 0 : index
    %swap3A_6 = arith.constant 0 : index
    %swap3A_7 = vector.load %arg4[%swap3A, %swap3A_6] : memref<256x128xf32, #tpu.memory_space<vmem>>, vector<256x128xf32>
    tpu.vector_store %arg4[%swap3A, %swap3A_6], %dot_general3A_5 {strides = array<i32>} : memref<256x128xf32, #tpu.memory_space<vmem>>, vector<256x128xf32>,
    %get3A_8 = arith.constant 0 : index
    %get3A_9 = arith.constant 0 : index
    %get3A_10 = vector.load %arg3[%get3A_8, %get3A_9] : memref<128x128xf32, #tpu.memory_space<vmem>>, vector<128x128xf32>
    %dot_general3A_11 = arith.constant dense<0.000000e+00> : vector<256x128xf32>
    %dot_general3A_12 = tpu.matmul %get3A_1, %get3A_10, %dot_general3A_11 {dimension_numbers = #tpu.dot_dimension_numbers<[1], [0], [0], [1], [0, 0, 1, 1], [], []>, transpose_lhs_hint = false} : vector<256x128xf32>, vector<128x128xf32>, vector<256x128xf32> -> vector<256x128xf32>
    %swap3A_13 = arith.constant 0 : index
    %swap3A_14 = arith.constant 0 : index
    %swap3A_15 = vector.load %arg5[%swap3A_13, %swap3A_14] : memref<256x128xf32, #tpu.memory_space<vmem>>, vector<256x128xf32>
    tpu.vector_store %arg5[%swap3A_13, %swap3A_14], %dot_general3A_12 {strides = array<i32>} : memref<256x128xf32, #tpu.memory_space<vmem>>, vector<256x128xf32>,
    return
  }
  func.func @transform_0(%arg0: i32) -> (i32, i32) {
    %c0_i32 = arith.constant 0 : i32
    %c0_i32_0 = arith.constant 0 : i32
    return %arg0, %c0_i32 : i32, i32
  }
  func.func @transform_1(%arg0: i32) -> (i32, i32) {
    %c0_i32 = arith.constant 0 : i32
    %c0_i32_0 = arith.constant 0 : i32
    %c0_i32_1 = arith.constant 0 : i32
    return %c0_i32, %c0_i32_0 : i32, i32
  }
  func.func @transform_2(%arg0: i32) -> (i32, i32) {
    %c0_i32 = arith.constant 0 : i32
    %c0_i32_0 = arith.constant 0 : i32
    %c0_i32_1 = arith.constant 0 : i32
    return %c0_i32, %c0_i32_0 : i32, i32
  }
  func.func @transform_3(%arg0: i32) -> (i32, i32) {
    %c0_i32 = arith.constant 0 : i32
    %c0_i32_0 = arith.constant 0 : i32
    return %arg0, %c0_i32 : i32, i32
  }
  func.func @transform_4(%arg0: i32) -> (i32, i32) {
    %c0_i32 = arith.constant 0 : i32
    %c0_i32_0 = arith.constant 0 : i32
    return %arg0, %c0_i32 : i32, i32
  }
}

module attributes {stable_mosaic.version = 14 : i64} {
  func.func @_epilogue_body(%arg0: i32, %arg1: memref<2x400x128xf32, #tpu.memory_space<vmem>>, %arg2: memref<400x16xf32, #tpu.memory_space<vmem>>, %arg3: memref<400x128xf32, #tpu.memory_space<vmem>>, %arg4: memref<400x128xf32, #tpu.memory_space<vmem>>, %arg5: memref<400x128xf32, #tpu.memory_space<vmem>>, %arg6: memref<1x128xf32, #tpu.memory_space<vmem>>, %arg7: memref<1x128xf32, #tpu.memory_space<vmem>>, %arg8: memref<1x128xf32, #tpu.memory_space<vmem>>, %arg9: memref<1x128xf32, #tpu.memory_space<vmem>>, %arg10: memref<400x128xf32, #tpu.memory_space<vmem>>) attributes {dimension_semantics = [#tpu.dimension_semantics<arbitrary>], iteration_bounds = array<i64: 25>, scalar_prefetch = 0 : i64, scratch_operands = 0 : i64, tpu.core_type = #tpu.core_type<tc>, window_params = [{transform_indices = @transform_0, window_bounds = array<i64: 2, 400, 128>}, {transform_indices = @transform_1, window_bounds = array<i64: 400, 16>}, {transform_indices = @transform_2, window_bounds = array<i64: 400, 128>}, {transform_indices = @transform_3, window_bounds = array<i64: 400, 128>}, {transform_indices = @transform_4, window_bounds = array<i64: 400, 128>}, {pipeline_mode = #tpu.pipeline_mode<synchronous>, transform_indices = @transform_5, window_bounds = array<i64: 1, 128>}, {pipeline_mode = #tpu.pipeline_mode<synchronous>, transform_indices = @transform_6, window_bounds = array<i64: 1, 128>}, {pipeline_mode = #tpu.pipeline_mode<synchronous>, transform_indices = @transform_7, window_bounds = array<i64: 1, 128>}, {pipeline_mode = #tpu.pipeline_mode<synchronous>, transform_indices = @transform_8, window_bounds = array<i64: 1, 128>}, {transform_indices = @transform_9, window_bounds = array<i64: 400, 128>}]} {
    %iota3A = tpu.iota {dimensions = array<i32: 0>} : vector<128x128xi32>
    %iota3A_0 = tpu.iota {dimensions = array<i32: 1>} : vector<128x128xi32>
    %jit3A = arith.constant 16 : i32
    %eq3A = arith.constant 0 : i32
    %eq3A_1 = arith.cmpi eq, %jit3A, %eq3A : i32
    %jit3A_2 = arith.constant 1 : i32
    %select_n3A = arith.select %eq3A_1, %jit3A_2, %jit3A : i32
    %rem3A = vector.broadcast %select_n3A : i32 to vector<128x128xi32>
    %rem3A_3 = arith.remsi %iota3A, %rem3A : vector<128x128xi32>
    %ne3A = arith.constant 0 : i32
    %ne3A_4 = vector.broadcast %ne3A : i32 to vector<128x128xi32>
    %ne3A_5 = arith.cmpi ne, %rem3A_3, %ne3A_4 : vector<128x128xi32>
    %lt3A = arith.constant 0 : i32
    %lt3A_6 = vector.broadcast %lt3A : i32 to vector<128x128xi32>
    %lt3A_7 = arith.cmpi slt, %rem3A_3, %lt3A_6 : vector<128x128xi32>
    %lt3A_8 = arith.constant 0 : i32
    %lt3A_9 = arith.cmpi slt, %select_n3A, %lt3A_8 : i32
    %ne3A_10 = vector.broadcast %lt3A_9 : i1 to vector<128x128xi1>
    %ne3A_11 = vector.broadcast %ne3A_10 : vector<128x128xi1> to vector<128x128xi1>
    %ne3A_12 = arith.xori %lt3A_7, %ne3A_11 : vector<128x128xi1>
    %and3A = arith.andi %ne3A_12, %ne3A_5 : vector<128x128xi1>
    %add3A = vector.broadcast %select_n3A : i32 to vector<128x128xi32>
    %add3A_13 = arith.addi %rem3A_3, %add3A : vector<128x128xi32>
    %select_n3A_14 = arith.select %and3A, %add3A_13, %rem3A_3 : vector<128x128xi1>, vector<128x128xi32>
    %jit3A_15 = arith.constant 16 : i32
    %div3A = vector.broadcast %jit3A_15 : i32 to vector<128x128xi32>
    %div3A_16 = arith.divsi %iota3A, %div3A : vector<128x128xi32>
    %sign3A = arith.constant 0 : i32
    %sign3A_17 = vector.broadcast %sign3A : i32 to vector<128x128xi32>
    %sign3A_18 = arith.cmpi sgt, %iota3A, %sign3A_17 : vector<128x128xi32>
    %sign3A_19 = arith.extui %sign3A_18 : vector<128x128xi1> to vector<128x128xi32>
    %sign3A_20 = arith.constant 0 : i32
    %sign3A_21 = vector.broadcast %sign3A_20 : i32 to vector<128x128xi32>
    %sign3A_22 = arith.cmpi slt, %iota3A, %sign3A_21 : vector<128x128xi32>
    %sign3A_23 = arith.extui %sign3A_22 : vector<128x128xi1> to vector<128x128xi32>
    %sign3A_24 = arith.subi %sign3A_19, %sign3A_23 : vector<128x128xi32>
    %sign3A_25 = arith.constant 0 : i32
    %sign3A_26 = arith.cmpi sgt, %jit3A_15, %sign3A_25 : i32
    %sign3A_27 = arith.extui %sign3A_26 : i1 to i32
    %sign3A_28 = arith.constant 0 : i32
    %sign3A_29 = arith.cmpi slt, %jit3A_15, %sign3A_28 : i32
    %sign3A_30 = arith.extui %sign3A_29 : i1 to i32
    %sign3A_31 = arith.subi %sign3A_27, %sign3A_30 : i32
    %ne3A_32 = vector.broadcast %sign3A_31 : i32 to vector<128x128xi32>
    %ne3A_33 = arith.cmpi ne, %sign3A_24, %ne3A_32 : vector<128x128xi32>
    %rem3A_34 = vector.broadcast %jit3A_15 : i32 to vector<128x128xi32>
    %rem3A_35 = arith.remsi %iota3A, %rem3A_34 : vector<128x128xi32>
    %ne3A_36 = arith.constant 0 : i32
    %ne3A_37 = vector.broadcast %ne3A_36 : i32 to vector<128x128xi32>
    %ne3A_38 = arith.cmpi ne, %rem3A_35, %ne3A_37 : vector<128x128xi32>
    %and3A_39 = arith.andi %ne3A_33, %ne3A_38 : vector<128x128xi1>
    %sub3A = arith.constant 1 : i32
    %sub3A_40 = vector.broadcast %sub3A : i32 to vector<128x128xi32>
    %sub3A_41 = arith.subi %div3A_16, %sub3A_40 : vector<128x128xi32>
    %select_n3A_42 = arith.select %and3A_39, %sub3A_41, %div3A_16 : vector<128x128xi1>, vector<128x128xi32>
    %lt3A_43 = arith.constant 8 : i32
    %lt3A_44 = vector.broadcast %lt3A_43 : i32 to vector<128x128xi32>
    %lt3A_45 = arith.cmpi slt, %select_n3A_14, %lt3A_44 : vector<128x128xi32>
    %mul3A = arith.constant 16 : i32
    %mul3A_46 = vector.broadcast %mul3A : i32 to vector<128x128xi32>
    %mul3A_47 = arith.muli %select_n3A_14, %mul3A_46 : vector<128x128xi32>
    %mul3A_48 = arith.constant 2 : i32
    %mul3A_49 = vector.broadcast %mul3A_48 : i32 to vector<128x128xi32>
    %mul3A_50 = arith.muli %mul3A_49, %select_n3A_42 : vector<128x128xi32>
    %add3A_51 = arith.addi %mul3A_47, %mul3A_50 : vector<128x128xi32>
    %sub3A_52 = arith.constant 15 : i32
    %sub3A_53 = vector.broadcast %sub3A_52 : i32 to vector<128x128xi32>
    %sub3A_54 = arith.subi %sub3A_53, %select_n3A_14 : vector<128x128xi32>
    %mul3A_55 = arith.constant 16 : i32
    %mul3A_56 = vector.broadcast %mul3A_55 : i32 to vector<128x128xi32>
    %mul3A_57 = arith.muli %sub3A_54, %mul3A_56 : vector<128x128xi32>
    %mul3A_58 = arith.constant 2 : i32
    %mul3A_59 = vector.broadcast %mul3A_58 : i32 to vector<128x128xi32>
    %mul3A_60 = arith.muli %mul3A_59, %select_n3A_42 : vector<128x128xi32>
    %add3A_61 = arith.addi %mul3A_57, %mul3A_60 : vector<128x128xi32>
    %add3A_62 = arith.constant 1 : i32
    %add3A_63 = vector.broadcast %add3A_62 : i32 to vector<128x128xi32>
    %add3A_64 = arith.addi %add3A_61, %add3A_63 : vector<128x128xi32>
    %select_n3A_65 = arith.select %lt3A_45, %add3A_51, %add3A_64 : vector<128x128xi1>, vector<128x128xi32>
    %eq3A_66 = arith.cmpi eq, %iota3A_0, %select_n3A_65 : vector<128x128xi32>
    %convert_element_type3A = arith.extui %eq3A_66 : vector<128x128xi1> to vector<128x128xi32>
    %convert_element_type3A_67 = arith.sitofp %convert_element_type3A : vector<128x128xi32> to vector<128x128xf32>
    %get3A = arith.constant 0 : index
    %get3A_68 = arith.constant 0 : index
    %get3A_69 = arith.constant 0 : index
    %get3A_70 = vector.load %arg1[%get3A, %get3A_68, %get3A_69] : memref<2x400x128xf32, #tpu.memory_space<vmem>>, vector<1x400x128xf32>
    %get3A_71 = vector.shape_cast %get3A_70 : vector<1x400x128xf32> to vector<400x128xf32>
    %get3A_72 = arith.constant 1 : index
    %get3A_73 = arith.constant 0 : index
    %get3A_74 = arith.constant 0 : index
    %get3A_75 = vector.load %arg1[%get3A_72, %get3A_73, %get3A_74] : memref<2x400x128xf32, #tpu.memory_space<vmem>>, vector<1x400x128xf32>
    %get3A_76 = vector.shape_cast %get3A_75 : vector<1x400x128xf32> to vector<400x128xf32>
    %add3A_77 = arith.addf %get3A_71, %get3A_76 : vector<400x128xf32>
    %dot_general3A = arith.constant dense<0.000000e+00> : vector<400x128xf32>
    %dot_general3A_78 = tpu.matmul %add3A_77, %convert_element_type3A_67, %dot_general3A {dimension_numbers = #tpu.dot_dimension_numbers<[1], [0], [0], [1], [0, 0, 1, 1], [], []>, transpose_lhs_hint = false} : vector<400x128xf32>, vector<128x128xf32>, vector<400x128xf32> -> vector<400x128xf32>
    %get3A_79 = arith.constant 0 : index
    %get3A_80 = arith.constant 0 : index
    %get3A_81 = vector.load %arg2[%get3A_79, %get3A_80] : memref<400x16xf32, #tpu.memory_space<vmem>>, vector<400x16xf32>
    %get3A_82 = arith.constant 0 : index
    %get3A_83 = arith.constant 0 : index
    %get3A_84 = vector.load %arg3[%get3A_82, %get3A_83] : memref<400x128xf32, #tpu.memory_space<vmem>>, vector<400x128xf32>
    %dot_general3A_85 = arith.constant dense<0.000000e+00> : vector<400x128xf32>
    %dot_general3A_86 = tpu.matmul %get3A_84, %convert_element_type3A_67, %dot_general3A_85 {dimension_numbers = #tpu.dot_dimension_numbers<[1], [0], [0], [1], [0, 0, 1, 1], [], []>, transpose_lhs_hint = false} : vector<400x128xf32>, vector<128x128xf32>, vector<400x128xf32> -> vector<400x128xf32>
    %get3A_87 = arith.constant 0 : index
    %get3A_88 = arith.constant 0 : index
    %get3A_89 = vector.load %arg4[%get3A_87, %get3A_88] : memref<400x128xf32, #tpu.memory_space<vmem>>, vector<400x128xf32>
    %dot_general3A_90 = arith.constant dense<0.000000e+00> : vector<400x128xf32>
    %dot_general3A_91 = tpu.matmul %get3A_89, %convert_element_type3A_67, %dot_general3A_90 {dimension_numbers = #tpu.dot_dimension_numbers<[1], [0], [0], [1], [0, 0, 1, 1], [], []>, transpose_lhs_hint = false} : vector<400x128xf32>, vector<128x128xf32>, vector<400x128xf32> -> vector<400x128xf32>
    %add3A_92 = arith.addf %dot_general3A_86, %dot_general3A_91 : vector<400x128xf32>
    %mul3A_93 = arith.constant 2.000000e-01 : f32
    %mul3A_94 = vector.broadcast %mul3A_93 : f32 to vector<400x128xf32>
    %mul3A_95 = arith.mulf %mul3A_94, %add3A_92 : vector<400x128xf32>
    %max3A = arith.maximumf %add3A_92, %mul3A_95 : vector<400x128xf32>
    %get3A_96 = arith.constant 0 : index
    %get3A_97 = arith.constant 0 : index
    %get3A_98 = vector.load %arg6[%get3A_96, %get3A_97] : memref<1x128xf32, #tpu.memory_space<vmem>>, vector<1x128xf32>
    %mul3A_99 = vector.broadcast %get3A_98 : vector<1x128xf32> to vector<400x128xf32>
    %mul3A_100 = arith.mulf %max3A, %mul3A_99 : vector<400x128xf32>
    %iota3A_101 = tpu.iota {dimensions = array<i32: 0>} : vector<128x16xi32>
    %jit3A_102 = arith.constant 16 : i32
    %div3A_103 = vector.broadcast %jit3A_102 : i32 to vector<128x16xi32>
    %div3A_104 = arith.divsi %iota3A_101, %div3A_103 : vector<128x16xi32>
    %sign3A_105 = arith.constant 0 : i32
    %sign3A_106 = vector.broadcast %sign3A_105 : i32 to vector<128x16xi32>
    %sign3A_107 = arith.cmpi sgt, %iota3A_101, %sign3A_106 : vector<128x16xi32>
    %sign3A_108 = arith.extui %sign3A_107 : vector<128x16xi1> to vector<128x16xi32>
    %sign3A_109 = arith.constant 0 : i32
    %sign3A_110 = vector.broadcast %sign3A_109 : i32 to vector<128x16xi32>
    %sign3A_111 = arith.cmpi slt, %iota3A_101, %sign3A_110 : vector<128x16xi32>
    %sign3A_112 = arith.extui %sign3A_111 : vector<128x16xi1> to vector<128x16xi32>
    %sign3A_113 = arith.subi %sign3A_108, %sign3A_112 : vector<128x16xi32>
    %sign3A_114 = arith.constant 0 : i32
    %sign3A_115 = arith.cmpi sgt, %jit3A_102, %sign3A_114 : i32
    %sign3A_116 = arith.extui %sign3A_115 : i1 to i32
    %sign3A_117 = arith.constant 0 : i32
    %sign3A_118 = arith.cmpi slt, %jit3A_102, %sign3A_117 : i32
    %sign3A_119 = arith.extui %sign3A_118 : i1 to i32
    %sign3A_120 = arith.subi %sign3A_116, %sign3A_119 : i32
    %ne3A_121 = vector.broadcast %sign3A_120 : i32 to vector<128x16xi32>
    %ne3A_122 = arith.cmpi ne, %sign3A_113, %ne3A_121 : vector<128x16xi32>
    %rem3A_123 = vector.broadcast %jit3A_102 : i32 to vector<128x16xi32>
    %rem3A_124 = arith.remsi %iota3A_101, %rem3A_123 : vector<128x16xi32>
    %ne3A_125 = arith.constant 0 : i32
    %ne3A_126 = vector.broadcast %ne3A_125 : i32 to vector<128x16xi32>
    %ne3A_127 = arith.cmpi ne, %rem3A_124, %ne3A_126 : vector<128x16xi32>
    %and3A_128 = arith.andi %ne3A_122, %ne3A_127 : vector<128x16xi1>
    %sub3A_129 = arith.constant 1 : i32
    %sub3A_130 = vector.broadcast %sub3A_129 : i32 to vector<128x16xi32>
    %sub3A_131 = arith.subi %div3A_104, %sub3A_130 : vector<128x16xi32>
    %select_n3A_132 = arith.select %and3A_128, %sub3A_131, %div3A_104 : vector<128x16xi1>, vector<128x16xi32>
    %iota3A_133 = tpu.iota {dimensions = array<i32: 1>} : vector<128x16xi32>
    %eq3A_134 = arith.cmpi eq, %select_n3A_132, %iota3A_133 : vector<128x16xi32>
    %convert_element_type3A_135 = arith.extui %eq3A_134 : vector<128x16xi1> to vector<128x16xi32>
    %convert_element_type3A_136 = arith.sitofp %convert_element_type3A_135 : vector<128x16xi32> to vector<128x16xf32>
    %iota3A_137 = tpu.iota {dimensions = array<i32: 1>} : vector<16x128xi32>
    %jit3A_138 = arith.constant 16 : i32
    %div3A_139 = vector.broadcast %jit3A_138 : i32 to vector<16x128xi32>
    %div3A_140 = arith.divsi %iota3A_137, %div3A_139 : vector<16x128xi32>
    %sign3A_141 = arith.constant 0 : i32
    %sign3A_142 = vector.broadcast %sign3A_141 : i32 to vector<16x128xi32>
    %sign3A_143 = arith.cmpi sgt, %iota3A_137, %sign3A_142 : vector<16x128xi32>
    %sign3A_144 = arith.extui %sign3A_143 : vector<16x128xi1> to vector<16x128xi32>
    %sign3A_145 = arith.constant 0 : i32
    %sign3A_146 = vector.broadcast %sign3A_145 : i32 to vector<16x128xi32>
    %sign3A_147 = arith.cmpi slt, %iota3A_137, %sign3A_146 : vector<16x128xi32>
    %sign3A_148 = arith.extui %sign3A_147 : vector<16x128xi1> to vector<16x128xi32>
    %sign3A_149 = arith.subi %sign3A_144, %sign3A_148 : vector<16x128xi32>
    %sign3A_150 = arith.constant 0 : i32
    %sign3A_151 = arith.cmpi sgt, %jit3A_138, %sign3A_150 : i32
    %sign3A_152 = arith.extui %sign3A_151 : i1 to i32
    %sign3A_153 = arith.constant 0 : i32
    %sign3A_154 = arith.cmpi slt, %jit3A_138, %sign3A_153 : i32
    %sign3A_155 = arith.extui %sign3A_154 : i1 to i32
    %sign3A_156 = arith.subi %sign3A_152, %sign3A_155 : i32
    %ne3A_157 = vector.broadcast %sign3A_156 : i32 to vector<16x128xi32>
    %ne3A_158 = arith.cmpi ne, %sign3A_149, %ne3A_157 : vector<16x128xi32>
    %rem3A_159 = vector.broadcast %jit3A_138 : i32 to vector<16x128xi32>
    %rem3A_160 = arith.remsi %iota3A_137, %rem3A_159 : vector<16x128xi32>
    %ne3A_161 = arith.constant 0 : i32
    %ne3A_162 = vector.broadcast %ne3A_161 : i32 to vector<16x128xi32>
    %ne3A_163 = arith.cmpi ne, %rem3A_160, %ne3A_162 : vector<16x128xi32>
    %and3A_164 = arith.andi %ne3A_158, %ne3A_163 : vector<16x128xi1>
    %sub3A_165 = arith.constant 1 : i32
    %sub3A_166 = vector.broadcast %sub3A_165 : i32 to vector<16x128xi32>
    %sub3A_167 = arith.subi %div3A_140, %sub3A_166 : vector<16x128xi32>
    %select_n3A_168 = arith.select %and3A_164, %sub3A_167, %div3A_140 : vector<16x128xi1>, vector<16x128xi32>
    %iota3A_169 = tpu.iota {dimensions = array<i32: 0>} : vector<16x128xi32>
    %eq3A_170 = arith.cmpi eq, %select_n3A_168, %iota3A_169 : vector<16x128xi32>
    %convert_element_type3A_171 = arith.extui %eq3A_170 : vector<16x128xi1> to vector<16x128xi32>
    %convert_element_type3A_172 = arith.sitofp %convert_element_type3A_171 : vector<16x128xi32> to vector<16x128xf32>
    %dot_general3A_173 = arith.constant dense<0.000000e+00> : vector<400x16xf32>
    %dot_general3A_174 = tpu.matmul %mul3A_100, %convert_element_type3A_136, %dot_general3A_173 {dimension_numbers = #tpu.dot_dimension_numbers<[1], [0], [0], [1], [0, 0, 1, 1], [], []>, transpose_lhs_hint = false} : vector<400x128xf32>, vector<128x16xf32>, vector<400x16xf32> -> vector<400x16xf32>
    %exp3A = math.exp %dot_general3A_174 : vector<400x16xf32>
    %add3A_175 = arith.addf %get3A_81, %exp3A : vector<400x16xf32>
    %dot_general3A_176 = arith.constant dense<0.000000e+00> : vector<400x128xf32>
    %dot_general3A_177 = tpu.matmul %exp3A, %convert_element_type3A_172, %dot_general3A_176 {dimension_numbers = #tpu.dot_dimension_numbers<[1], [0], [0], [1], [0, 0, 1, 1], [], []>, transpose_lhs_hint = false} : vector<400x16xf32>, vector<16x128xf32>, vector<400x128xf32> -> vector<400x128xf32>
    %dot_general3A_178 = arith.constant dense<0.000000e+00> : vector<400x128xf32>
    %dot_general3A_179 = tpu.matmul %add3A_175, %convert_element_type3A_172, %dot_general3A_178 {dimension_numbers = #tpu.dot_dimension_numbers<[1], [0], [0], [1], [0, 0, 1, 1], [], []>, transpose_lhs_hint = false} : vector<400x16xf32>, vector<16x128xf32>, vector<400x128xf32> -> vector<400x128xf32>
    %mul3A_180 = arith.mulf %dot_general3A_177, %dot_general3A_86 : vector<400x128xf32>
    %add3A_181 = arith.addf %dot_general3A_78, %mul3A_180 : vector<400x128xf32>
    %add3A_182 = arith.constant 1.000000e-16 : f32
    %add3A_183 = vector.broadcast %add3A_182 : f32 to vector<400x128xf32>
    %add3A_184 = arith.addf %dot_general3A_179, %add3A_183 : vector<400x128xf32>
    %div3A_185 = arith.divf %add3A_181, %add3A_184 : vector<400x128xf32>
    %get3A_186 = arith.constant 0 : index
    %get3A_187 = arith.constant 0 : index
    %get3A_188 = vector.load %arg7[%get3A_186, %get3A_187] : memref<1x128xf32, #tpu.memory_space<vmem>>, vector<1x128xf32>
    %add3A_189 = vector.broadcast %get3A_188 : vector<1x128xf32> to vector<400x128xf32>
    %add3A_190 = arith.addf %div3A_185, %add3A_189 : vector<400x128xf32>
    %gt3A = arith.constant 0.000000e+00 : f32
    %gt3A_191 = vector.broadcast %gt3A : f32 to vector<400x128xf32>
    %gt3A_192 = arith.cmpf ogt, %add3A_190, %gt3A_191 : vector<400x128xf32>
    %min3A = arith.constant 0.000000e+00 : f32
    %min3A_193 = vector.broadcast %min3A : f32 to vector<400x128xf32>
    %min3A_194 = arith.minimumf %add3A_190, %min3A_193 : vector<400x128xf32>
    %exp3A_195 = math.exp %min3A_194 : vector<400x128xf32>
    %sub3A_196 = arith.constant 1.000000e+00 : f32
    %sub3A_197 = vector.broadcast %sub3A_196 : f32 to vector<400x128xf32>
    %sub3A_198 = arith.subf %exp3A_195, %sub3A_197 : vector<400x128xf32>
    %select_n3A_199 = arith.select %gt3A_192, %add3A_190, %sub3A_198 : vector<400x128xi1>, vector<400x128xf32>
    %get3A_200 = arith.constant 0 : index
    %get3A_201 = arith.constant 0 : index
    %get3A_202 = vector.load %arg5[%get3A_200, %get3A_201] : memref<400x128xf32, #tpu.memory_space<vmem>>, vector<400x128xf32>
    %add3A_203 = arith.addf %select_n3A_199, %get3A_202 : vector<400x128xf32>
    %reduce_sum3A = arith.constant dense<0.000000e+00> : vector<400xf32>
    %reduce_sum3A_204 = vector.multi_reduction <add>, %add3A_203, %reduce_sum3A [1] : vector<400x128xf32> to vector<400xf32>
    %broadcast_in_dim3A = vector.shape_cast %reduce_sum3A_204 : vector<400xf32> to vector<400x1xf32>
    %div3A_205 = arith.constant 1.280000e+02 : f32
    %div3A_206 = vector.broadcast %div3A_205 : f32 to vector<400x1xf32>
    %div3A_207 = arith.divf %broadcast_in_dim3A, %div3A_206 : vector<400x1xf32>
    %sub3A_208 = vector.broadcast %div3A_207 : vector<400x1xf32> to vector<400x128xf32>
    %sub3A_209 = arith.subf %add3A_203, %sub3A_208 : vector<400x128xf32>
    %mul3A_210 = arith.mulf %sub3A_209, %sub3A_209 : vector<400x128xf32>
    %reduce_sum3A_211 = arith.constant dense<0.000000e+00> : vector<400xf32>
    %reduce_sum3A_212 = vector.multi_reduction <add>, %mul3A_210, %reduce_sum3A_211 [1] : vector<400x128xf32> to vector<400xf32>
    %broadcast_in_dim3A_213 = vector.shape_cast %reduce_sum3A_212 : vector<400xf32> to vector<400x1xf32>
    %div3A_214 = arith.constant 1.280000e+02 : f32
    %div3A_215 = vector.broadcast %div3A_214 : f32 to vector<400x1xf32>
    %div3A_216 = arith.divf %broadcast_in_dim3A_213, %div3A_215 : vector<400x1xf32>
    %add3A_217 = arith.constant 9.99999974E-6 : f32
    %add3A_218 = vector.broadcast %add3A_217 : f32 to vector<400x1xf32>
    %add3A_219 = arith.addf %div3A_216, %add3A_218 : vector<400x1xf32>
    %rsqrt3A = math.rsqrt %add3A_219 : vector<400x1xf32>
    %mul3A_220 = vector.broadcast %rsqrt3A : vector<400x1xf32> to vector<400x128xf32>
    %mul3A_221 = arith.mulf %sub3A_209, %mul3A_220 : vector<400x128xf32>
    %get3A_222 = arith.constant 0 : index
    %get3A_223 = arith.constant 0 : index
    %get3A_224 = vector.load %arg8[%get3A_222, %get3A_223] : memref<1x128xf32, #tpu.memory_space<vmem>>, vector<1x128xf32>
    %mul3A_225 = vector.broadcast %get3A_224 : vector<1x128xf32> to vector<400x128xf32>
    %mul3A_226 = arith.mulf %mul3A_221, %mul3A_225 : vector<400x128xf32>
    %get3A_227 = arith.constant 0 : index
    %get3A_228 = arith.constant 0 : index
    %get3A_229 = vector.load %arg9[%get3A_227, %get3A_228] : memref<1x128xf32, #tpu.memory_space<vmem>>, vector<1x128xf32>
    %add3A_230 = vector.broadcast %get3A_229 : vector<1x128xf32> to vector<400x128xf32>
    %add3A_231 = arith.addf %mul3A_226, %add3A_230 : vector<400x128xf32>
    %swap3A = arith.constant 0 : index
    %swap3A_232 = arith.constant 0 : index
    %swap3A_233 = vector.load %arg10[%swap3A, %swap3A_232] : memref<400x128xf32, #tpu.memory_space<vmem>>, vector<400x128xf32>
    tpu.vector_store %arg10[%swap3A, %swap3A_232], %add3A_231 {strides = array<i32>} : memref<400x128xf32, #tpu.memory_space<vmem>>, vector<400x128xf32>,
    return
  }
  func.func @transform_0(%arg0: i32) -> (i32, i32, i32) {
    %c0_i32 = arith.constant 0 : i32
    %c0_i32_0 = arith.constant 0 : i32
    %c0_i32_1 = arith.constant 0 : i32
    return %c0_i32, %arg0, %c0_i32_0 : i32, i32, i32
  }
  func.func @transform_1(%arg0: i32) -> (i32, i32) {
    %c0_i32 = arith.constant 0 : i32
    %c0_i32_0 = arith.constant 0 : i32
    return %arg0, %c0_i32 : i32, i32
  }
  func.func @transform_2(%arg0: i32) -> (i32, i32) {
    %c0_i32 = arith.constant 0 : i32
    %c0_i32_0 = arith.constant 0 : i32
    return %arg0, %c0_i32 : i32, i32
  }
  func.func @transform_3(%arg0: i32) -> (i32, i32) {
    %c0_i32 = arith.constant 0 : i32
    %c0_i32_0 = arith.constant 0 : i32
    return %arg0, %c0_i32 : i32, i32
  }
  func.func @transform_4(%arg0: i32) -> (i32, i32) {
    %c0_i32 = arith.constant 0 : i32
    %c0_i32_0 = arith.constant 0 : i32
    return %arg0, %c0_i32 : i32, i32
  }
  func.func @transform_5(%arg0: i32) -> (i32, i32) {
    %c0_i32 = arith.constant 0 : i32
    %c0_i32_0 = arith.constant 0 : i32
    %c0_i32_1 = arith.constant 0 : i32
    return %c0_i32, %c0_i32_0 : i32, i32
  }
  func.func @transform_6(%arg0: i32) -> (i32, i32) {
    %c0_i32 = arith.constant 0 : i32
    %c0_i32_0 = arith.constant 0 : i32
    %c0_i32_1 = arith.constant 0 : i32
    return %c0_i32, %c0_i32_0 : i32, i32
  }
  func.func @transform_7(%arg0: i32) -> (i32, i32) {
    %c0_i32 = arith.constant 0 : i32
    %c0_i32_0 = arith.constant 0 : i32
    %c0_i32_1 = arith.constant 0 : i32
    return %c0_i32, %c0_i32_0 : i32, i32
  }
  func.func @transform_8(%arg0: i32) -> (i32, i32) {
    %c0_i32 = arith.constant 0 : i32
    %c0_i32_0 = arith.constant 0 : i32
    %c0_i32_1 = arith.constant 0 : i32
    return %c0_i32, %c0_i32_0 : i32, i32
  }
  func.func @transform_9(%arg0: i32) -> (i32, i32) {
    %c0_i32 = arith.constant 0 : i32
    %c0_i32_0 = arith.constant 0 : i32
    return %arg0, %c0_i32 : i32, i32
  }
}

</mosaic_0001>

<sc_bundles>
// kernel: kernel.5.cloned.1.call-start
scs
__scs_entry_jumppad:
0x0: {  	(pc) =	sbr.rel $0x88, $3  }
0x1: {  	(tag) =	ssettag $0x0;
	lr =	simm.s32 $0x1  }
0x2: {  	[smem:$0x3F99] =	sst lr;
	_ =	strace $0xD0000000  }
0x3: {  	_ = 	snop  }
0x4: {  	_ = 	snop  }
0x5: {  	_ = 	snop  }
0x6: {  	_ = 	snop  }
0x7: {  	_ = 	snop  }
__scs_overlays_trampoline_lowered:
0x8: {  	[smem:$0x3FA8] =	sst s0  }
0x9: {  	[smem:$0x3FA9] =	sst s1  }
0xa: {  	[smem:$0x3FAA] =	sst s2  }
0xb: {  	[smem:$0x3FAB] =	sst s3  }
0xc: {  	[smem:$0x3FAC] =	sst s4  }
0xd: {  	[smem:$0x3FAD] =	sst s5  }
0xe: {  	[smem:$0x3FAE] =	sst s6  }
0xf: {  	[smem:$0x3FAF] =	sst s7  }
0x10: {  	[smem:$0x3FB0] =	sst s8  }
0x11: {  	[smem:$0x3FB1] =	sst s9;
	s0 =	simm.s32 @!p0 $0x0  }
0x12: {  	s1 =	sld [smem:$0x3F97];
	s0 =	simm.s32 @p0 $0x1  }
0x13: {  	[smem:$0x3FB2] =	sst s0;
	s0 =	simm.s32 @!p1 $0x0  }
0x14: {  	s2 =	sld [smem:$0x3F96];
	s0 =	simm.s32 @p1 $0x1  }
0x15: {  	[smem:$0x3FB3] =	sst s0;
	s0 =	simm.s32 @!p2 $0x0  }
0x16: {  	s3 =	sld [smem:$0x3FDB];
	s0 =	simm.s32 @p2 $0x1  }
0x17: {  	s4 =	simm.s32 $0x1BF5;
	[smem:$0x3FB5] =	sst s0  }
0x18: {  	s0 =	sld [smem:$0x3F98];
	_ =	swait.ge [sflag:s4], $0x0  }
0x19: {  	s7 =	sld [smem:$0x3F99]  }
0x1a: {  	s8 =	sadd.s32 $0xFFFFE003, lr  }
0x1b: {  	s9 =	sadd.s32 $0xFFFFFEF7, lr;
	s5 =	simm.s32 $0xFFFFFFFF;
	p2 =	slt.u32 s8, $0xFFFFF086  }
0x1c: {  	p1 =	slt.u32 s9, $0xF7A;
	s5 =	simm.s32 @!p2 $0x0  }
0x1d: {  	s5 =	simm.s32 @p1 $0x1;
	p0 =	seq.s32 s7, s2  }
0x1e: {  	s7 =	smul.u32 @!p0 $0xF7A, s2;
	p2 =	seq.s32 @!p0 s5, $0x0  }
0x1f: {  	s9 =	smul.u32 $0xF7A, s1;
	s8 =	simm.s32 @!p0 $0x1BF5;
	p2 =	por !p2, p0  }
0x20: {  	[sflag:s8] =	ssyncset.s32 @!p0 $0xFFFFF086;
	s6 =	sadd.s32 @!p0 s3, s7;
	s7 =	simm.s32 @!p0 $0x108  }
0x21: {  	s3 =	sadd.s32 s3, s9;
	s6 =	sadd.s32 @!p0 $0x88, s6;
	s7 =	simm.s32 @p2 $0x1082  }
0x22: {  	[simem:s7], [sflag:s8] =	dma.local @!p0 [hbm:s6], $0xF7A  }
0x23: {  	s9 =	sor.u32 $0xD0000000, s2;
	s6 =	simm.s32 $0x108;
	_ =	swait.ge @!p0 [sflag:s8], $0x0  }
0x24: {  	s3 =	sadd.s32 $0x88, s3;
	s6 =	simm.s32 @!p1 $0x1082;
	[sflag:s4] =	ssyncset.s32 $0xFFFFF086  }
0x25: {  	[simem:s6], [sflag:s4] =	dma.local [hbm:s3], $0xF7A  }
0x26: {  	[smem:$0x3F99] =	sst s1;
	(tag) =	ssettag s2;
	_ =	strace s9  }
0x27: {  	s1 =	sld [smem:$0x3FA9]  }
0x28: {  	s2 =	sld [smem:$0x3FAA]  }
0x29: {  	s4 =	sld [smem:$0x3FAC]  }
0x2a: {  	p0 =	seq.s32 s5, $0x0;
	s5 =	sld [smem:$0x3FAD]  }
0x2b: {  	s6 =	sld [smem:$0x3FAE]  }
0x2c: {  	s7 =	sld [smem:$0x3FAF]  }
0x2d: {  	s3 =	simm.s32 $0x108;
	s8 =	sld [smem:$0x3FB0]  }
0x2e: {  	s3 =	simm.s32 @!p0 $0x1082;
	s9 =	sld [smem:$0x3FB1]  }
0x2f: {  	lr =	sadd.s32 s0, s3;
	s0 =	sld [smem:$0x3FA8]  }
0x30: {  	s3 =	sld [smem:$0x3FAB]  }
0x31: {  	[smem:$0x3FB4] =	sst s10  }
0x32: {  	s10 =	sld [smem:$0x3FB2];
	_ =	sdelay $0x3  }
0x33: {  	p0 =	seq.s32 s10, $0x1;
	s10 =	sld [smem:$0x3FB4];
	_ =	sdelay $0x3  }
0x34: {  	[smem:$0x3FB4] =	sst s10  }
0x35: {  	s10 =	sld [smem:$0x3FB3];
	_ =	sdelay $0x3  }
0x36: {  	p1 =	seq.s32 s10, $0x1;
	s10 =	sld [smem:$0x3FB4];
	_ =	sdelay $0x3  }
0x37: {  	[smem:$0x3FB4] =	sst s10  }
0x38: {  	s10 =	sld [smem:$0x3FB5]  }
0x39: {  	_ = 	snop;
	(pc) =	sbr.ind lr, $3  }
0x3a: {  	_ = 	snop  }
0x3b: {  	_ = 	snop  }
0x3c: {  	p2 =	seq.s32 s10, $0x1;
	s10 =	sld [smem:$0x3FB4]  }
0x3d: {  	_ =	shalt  }
0x3e: {  	_ =	shalt  }
0x3f: {  	_ =	shalt  }
0x40: {  	_ =	shalt  }
0x41: {  	_ =	shalt  }
0x42: {  	_ =	shalt  }
0x43: {  	_ =	shalt  }
0x44: {  	_ =	shalt  }
0x45: {  	_ =	shalt  }
0x46: {  	_ =	shalt  }
0x47: {  	_ =	shalt  }
0x48: {  	_ =	shalt  }
0x49: {  	_ =	shalt  }
0x4a: {  	_ =	shalt  }
0x4b: {  	_ =	shalt  }
0x4c: {  	_ =	shalt  }
0x4d: {  	_ =	shalt  }
0x4e: {  	_ =	shalt  }
0x4f: {  	_ =	shalt  }
0x50: {  	_ =	shalt  }
0x51: {  	_ =	shalt  }
0x52: {  	_ =	shalt  }
0x53: {  	_ =	shalt  }
0x54: {  	_ =	shalt  }
0x55: {  	_ =	shalt  }
0x56: {  	_ =	shalt  }
0x57: {  	_ =	shalt  }
0x58: {  	_ =	shalt  }
0x59: {  	_ =	shalt  }
0x5a: {  	_ =	shalt  }
0x5b: {  	_ =	shalt  }
0x5c: {  	_ =	shalt  }
0x5d: {  	_ =	shalt  }
0x5e: {  	_ =	shalt  }
0x5f: {  	_ =	shalt  }
0x60: {  	_ =	shalt  }
0x61: {  	_ =	shalt  }
0x62: {  	_ =	shalt  }
0x63: {  	_ =	shalt  }
0x64: {  	_ =	shalt  }
0x65: {  	_ =	shalt  }
0x66: {  	_ =	shalt  }
0x67: {  	_ =	shalt  }
0x68: {  	_ =	shalt  }
0x69: {  	_ =	shalt  }
0x6a: {  	_ =	shalt  }
0x6b: {  	_ =	shalt  }
0x6c: {  	_ =	shalt  }
0x6d: {  	_ =	shalt  }
0x6e: {  	_ =	shalt  }
0x6f: {  	_ =	shalt  }
0x70: {  	_ =	shalt  }
0x71: {  	_ =	shalt  }
0x72: {  	_ =	shalt  }
0x73: {  	_ =	shalt  }
0x74: {  	_ =	shalt  }
0x75: {  	_ =	shalt  }
0x76: {  	_ =	shalt  }
0x77: {  	_ =	shalt  }
0x78: {  	_ =	shalt  }
0x79: {  	_ =	shalt  }
0x7a: {  	_ =	shalt  }
0x7b: {  	_ =	shalt  }
0x7c: {  	_ =	shalt  }
0x7d: {  	_ =	shalt  }
0x7e: {  	_ =	shalt  }
0x7f: {  	_ =	shalt  }
0x80: {  	_ =	shalt  }
0x81: {  	_ =	shalt  }
0x82: {  	_ =	shalt  }
0x83: {  	_ =	shalt  }
0x84: {  	_ =	shalt  }
0x85: {  	_ =	shalt  }
0x86: {  	_ =	shalt  }
0x87: {  	_ =	shalt  }
.Lfunc_end0:
.L_simem_size_0:
called_computation_lowered:
.L_overlay_start_0:
0x88: {  	s2 =	sld [smem:$0x3FD9]  }
0x89: {  	s3 =	sld [smem:$0x3FFE];
	_ =	sdelay $0x1  }
0x8a: {  	s1 =	srdreg.scid  }
0x8b: {  	s0 =	sand.u32 $0x1, s1  }
0x8c: {  	s17 =	sshll.u32 s0, $0xA;
	s2 =	sadd.s32 s3, s2  }
0x8d: {  	s2 =	sadd.s32 s2, s17  }
0x8e: {  	[smem:$0x3FC0] =	sst s2  }
0x8f: {  	_ = 	snop  }
0x90: {  	s2 =	sld [smem:$0x3FD0];
	(tm) =	ssettm $0x1  }
0x91: {  	s18 =	sld [smem:$0x3FFB];
	_ =	sdelay $0x3  }
0x92: {  	_ =	strace s18  }
0x93: {  	s3 =	sld [smem:$0x3FFC];
	_ =	sdelay $0x3  }
0x94: {  	_ =	strace s3  }
0x95: {  	s3 =	sld [smem:$0x3FFD];
	_ =	sdelay $0x3  }
0x96: {  	_ =	strace s3  }
0x97: {  	_ =	strace $0x8FFFFFFF  }
0x98: {  	s19 =	sld [smem:$0x3FDB];
	_ =	sdelay $0x1  }
0x99: {  	s4 =	simm.s32 $_scs_section_size  }
0x9a: {  	s5 =	simm.s32 $_size__tile_overlayer_lowered;
	s6 =	simm.s32 $_tile_overlayer_lowered  }
0x9b: {  	s22 =	simm.s32 $0x1BFF;
	s21 =	sshll.u32 s6, $0x1;
	s3 =	sadd.s32 s4, s19  }
0x9c: {  	s7 =	simm.s32 $0x0;
	s20 =	sshll.u32 s5, $0x1;
	s5 =	sadd.s32 s21, s3  }
0x9d: {  	[timem:s7], [sflag:s22] =	dma.local [hbm:s5], s20  }
0x9e: {  	_ =	swait.ge [sflag:s22], s20  }
0x9f: {  	s4 =	ssub.s32 $0x0, s20;
	[sflag:s22] =	ssyncset.done $0x0  }
0xa0: {  	[sflag:s22] =	ssyncadd.s32 s4;
	_ =	sdelay $0x1  }
0xa1: {  	s23 =	simm.s32 $0x1B8B  }
0xa2: {  	_ =	swait.ge [sflag:s23], $0x1  }
0xa3: {  	[sflag:s23] =	ssyncset.done $0x0  }
0xa4: {  	s25 =	simm.s32 $0x1B8E;
	s24 =	sld [smem:$0x3FFE];
	[sflag:s23] =	ssyncadd.s32 $0xFFFFFFFF  }
0xa5: {  	s26 =	simm.s32 $execute0_lowered;
	[smem:$0x3FD2] =	sst s25  }
0xa6: {  	s5 =	sshll.u32 s26, $0x1;
	_ =	strace $0x80000046;
	[dreg:$0x1] =	wrdreg $0xFFFFFFFF  }
0xa7: {  	s28 =	simm.s32 $_size_execute0_lowered;
	s3 =	sadd.s32 s3, s5;
	[dreg:$0x0] =	wrdreg $0x0  }
0xa8: {  	s5 =	sshll.u32 s28, $0x1;
	[dreg:$0x2] =	wrdreg s3  }
0xa9: {  	[dreg:$0x3] =	wrdreg s5  }
0xaa: {  	[dreg:$0x4] =	wrdreg $0xC0  }
0xab: {  	_ =	task [dreg:s7], $0x5FFFF  }
0xac: {  	[dreg:$0x1] =	wrdreg $0xFFFFFFFF  }
0xad: {  	[dreg:$0x0] =	wrdreg $0x60  }
0xae: {  	[dreg:$0x2] =	wrdreg s24  }
0xaf: {  	[dreg:$0x3] =	wrdreg s2  }
0xb0: {  	[dreg:$0x4] =	wrdreg $0x6D800  }
0xb1: {  	[dreg:$0x5] =	wrdreg $0x1AD800  }
0xb2: {  	[dreg:$0x6] =	wrdreg $0x9  }
0xb3: {  	_ =	task.clear_ibuf [dreg:s7], $0x7FFFF;
	_ =	strace $0x90000046  }
0xb4: {  	s29 =	simm.s32 $0x9;
	_ =	strace $0x80000048  }
0xb5: {  	_ =	swait.ge [sflag:s29], $0x1  }
0xb6: {  	[sflag:s29] =	ssyncadd.s32 $0xFFFFFFFF  }
0xb7: {  	_ =	strace $0x90000048  }
0xb8: {  	_ =	sfence  }
0xb9: {  	s30 =	sld [smem:$0x0];
	_ =	sdelay $0x2  }
0xba: {  	s31 =	sshll.u32 s1, $0xD;
	s1 =	sshrl.u32 s1, $0x2  }
0xbb: {  	s3 =	sand.u32 $0x4000, s31;
	s1 =	sadd.s32 s1, s30  }
0xbc: {  	s0 =	sor.u32 s3, s0;
	s1 =	sshll.u32 s1, $0x11  }
0xbd: {  	s0 =	sor.u32 s1, s0  }
0xbe: {  	s0 =	sadd.s32 $0x8F2B, s0  }
0xbf: {  	[sflag:s0] =	ssyncadd.remote.s32 $0x1  }
0xc0: {  	_ =	sfence.sel $0xFFFF  }
0xc1: {  	[dreg:$0x0] =	wrdreg $0xFFFFFFFF;
	(pc) =	sbr.abs _section_cstart, $3  }
0xc2: {  	[dreg:$0x1] =	wrdreg $0xFFFFFFFF  }
0xc3: {  	_ =	task.clear_ibuf [dreg:s7], $0x2FFFF;
	_ =	strace $0x9FFFFFFF  }
0xc4: {  	(tm) =	ssettm $0x7FFFFFFF  }
0xc5: {  	_ =	shalt  }
tec
execute0_lowered:
.L_overlay_start_1:
0x0: {  	(tag) =	ssettag $0x1  }
0x1: {  	s0 =	rddreg [dreg:$0x0]  }
0x2: {  	s3 =	rddreg [dreg:$0x1]  }
0x3: {  	s1 =	rddreg [dreg:$0x2]  }
0x4: {  	s2 =	rddreg [dreg:$0x3];
	s4 =	simm.s32 $0x0;
	s5 =	srdreg.scid  }
0x5: {  	s18 =	stileid.u32;
	s20 =	simm.s32 $0x6180;
	s21 =	simm.s32 $0x180  }
0x6: {  	s25 =	simm.s32 $0x80;
	s28 =	simm.s32 $0x0;
	[smem:$0x7FF] =	sst s4  }
0x7: {  	s12 =	sand.u32 $0x1, s5;
	s10 =	smul.u32 $0x14000, s18;
	s5 =	sadd.s32 $0x15A00, s0  }
0x8: {  	s6 =	sadd.s32 $0x3DA00, s0;
	s7 =	sadd.s32 $0xBC00, s0;
	s8 =	sadd.s32 $0x1E00, s0  }
0x9: {  	s26 =	sadd.s32 $0x1C00, s0;
	s15 =	sshll.u32 s18, $0x1;
	s29 =	smul.u32 $0x2800, s18  }
0xa: {  	s9 =	smul.u32 $0x140000, s12;
	_ =	strace $0x80000047;
	[dreg:$0x5] =	wrdreg s26  }
0xb: {  	s14 =	ssub.s32 $0x2, s12;
	s16 =	smul.u32 $0x28000, s12;
	s12 =	sor.u32 s12, s15  }
0xc: {  	s26 =	simm.s32 $0x100;
	s17 =	sshrl.u32 s14, $0x1;
	s12 =	smul.u32 $0x2740, s12  }
0xd: {  	s11 =	sadd.s32 s10, s9;
	s9 =	smul.u32 $0x280, s18;
	s30 =	ssub.s32 s14, s17  }
0xe: {  	s31 =	sadd.s32 s29, s16;
	s17 =	simm.s32 $0x3;
	s13 =	sshrl.u32 s11, $0x3  }
0xf: {  	v0 =	vlaneseq.u32;
	s11 =	smul.u32 $0x50, s18;
	s15 =	sshrl.u32 s31, $0x3;
	s18 =	simm.s32 $0x40  }
0x10: {  	v7 =	vmul.u32 $0xFFFFFFFF, v0;
	s0 =	sadd.s32 s13, s0;
	s13 =	smax.u32 s30, $0x1;
	s15 =	sadd.s32 s15, s3  }
0x11: {  	v6 =	vimm.f32 $0.0e+00;
	vm0 =	vmmov $0xffff;
	s19 =	sadd.s32 $0x10, s11;
	s22 =	sadd.s32 $0x20, s11;
	s23 =	sadd.s32 $0x30, s11  }
0x12: {  	v7 =	vadd.s32 $0xF, v7;
	s24 =	sadd.s32 $0x40, s11;
	s14 =	sadd.s32 $0x65A00, s0;
	v1 =	vor.u32 s11, v0;
	v2 =	vor.u32 s19, v0;
	s19 =	simm.s32 $0x4180  }
0x13: {  	v3 =	vor.u32 s22, v0;
	v4 =	vor.u32 s23, v0;
	v5 =	vor.u32 s24, v0;
	s22 =	simm.s32 $0x2180;
	s23 =	simm.s32 $0x1;
	s24 =	simm.s32 $0x2  }
.LBB2_1:
0x14: {  	s0 =	rddreg [dreg:$0x5];
	s3 =	simm.s32 $0x6980  }
0x15: {  	[tilespmem:s3], [sflag:$0x3] =	stream.linear.gather [hbm4b:s0+s4], $0x400, $0x38;
	[tilespmem:$0x1D580] =	vst v63  }
0x16: {  	_ =	swait.ge [sflag:s17], $0x400  }
0x17: {  	[sflag:s17] =	ssyncset.done $0x0  }
0x18: {  	s0 =	simm.s32 $0x0;
	s3 =	simm.s32 $0x200;
	[sflag:s17] =	ssyncadd.s32 $0xFFFFFC00  }
.LBB2_2:
0x19: {  	p0 =	sne.s32 s3, $0x7E00;
	[tilespmem:s0+$0x41F0] =	vst v6  }
0x1a: {  	[tilespmem:s0+$0x4180] =	vst v6  }
0x1b: {  	[tilespmem:s0+$0x4190] =	vst v6  }
.Ltmp0:
0x1c: {  	[tilespmem:s0+$0x41A0] =	vst v6;
	(pc) =	sbr.rel @p0 .LBB2_2-.Ltmp0, $4  }
0x1d: {  	[tilespmem:s0+$0x41B0] =	vst v6  }
0x1e: {  	[tilespmem:s0+$0x41C0] =	vst v6  }
0x1f: {  	[tilespmem:s0+$0x41D0] =	vst v6  }
0x20: {  	[tilespmem:s0+$0x41E0] =	vst v6;
	s0 =	sshra.s32 s3, $0x2;
	s3 =	sadd.s32 $0x200, s3  }
0x21: {  	[tilespmem:s0+$0x41F0] =	vst v6  }
0x22: {  	[tilespmem:s0+$0x4180] =	vst v6  }
0x23: {  	[tilespmem:s0+$0x4190] =	vst v6  }
0x24: {  	[tilespmem:s0+$0x41A0] =	vst v6  }
0x25: {  	[tilespmem:s0+$0x41B0] =	vst v6  }
0x26: {  	[tilespmem:s0+$0x41C0] =	vst v6  }
0x27: {  	[tilespmem:s0+$0x41D0] =	vst v6  }
0x28: {  	[tilespmem:s0+$0x41E0] =	vst v6;
	s0 =	simm.s32 $0x0;
	s3 =	simm.s32 $0x200  }
.LBB2_4:
0x29: {  	p0 =	sne.s32 s3, $0x1E00;
	[tilespmem:s0+$0x61F0] =	vst v6  }
0x2a: {  	[tilespmem:s0+$0x6180] =	vst v6  }
0x2b: {  	[tilespmem:s0+$0x6190] =	vst v6  }
.Ltmp1:
0x2c: {  	[tilespmem:s0+$0x61A0] =	vst v6;
	(pc) =	sbr.rel @p0 .LBB2_4-.Ltmp1, $4  }
0x2d: {  	[tilespmem:s0+$0x61B0] =	vst v6  }
0x2e: {  	[tilespmem:s0+$0x61C0] =	vst v6  }
0x2f: {  	[tilespmem:s0+$0x61D0] =	vst v6  }
0x30: {  	[tilespmem:s0+$0x61E0] =	vst v6;
	s0 =	sshra.s32 s3, $0x2;
	s3 =	sadd.s32 $0x200, s3  }
0x31: {  	[tilespmem:s0+$0x61F0] =	vst v6  }
0x32: {  	[tilespmem:s0+$0x6180] =	vst v6  }
0x33: {  	[tilespmem:s0+$0x6190] =	vst v6  }
0x34: {  	[tilespmem:s0+$0x61A0] =	vst v6  }
0x35: {  	[tilespmem:s0+$0x61B0] =	vst v6  }
0x36: {  	[tilespmem:s0+$0x61C0] =	vst v6  }
0x37: {  	[tilespmem:s0+$0x61D0] =	vst v6;
	s3 =	sadd.s32 $0x0, s9  }
0x38: {  	[tilespmem:s0+$0x61E0] =	vst v6;
	v8 =	vor.u32 s3, v0;
	s31 =	sadd.s32 $0x30, s3  }
0x39: {  	s29 =	sadd.s32 $0x20, s3;
	[tilespmem:$0x0] =	vst v8;
	v9 =	vor.u32 s31, v0  }
0x3a: {  	s0 =	simm.s32 $0x40;
	s3 =	sadd.s32 $0x10, s3;
	v8 =	vor.u32 s29, v0;
	[tilespmem:$0x30] =	vst v9  }
.LBB2_6:
0x3b: {  	p0 =	sne.s32 s0, $0x240;
	v9 =	vor.u32 s3, v0;
	[tilespmem:$0x20] =	vst v8  }
0x3c: {  	[tilespmem:$0x10] =	vst v9;
	[spmem:s1] =	stream.indirect.scatter [tilespmem:s19], [sflag:$0x3], $0x80, s4, s18, $0xb8  }
.Ltmp2:
0x3d: {  	_ =	swait.ge [sflag:s17], $0x2000;
	(pc) =	sbr.rel @p0 .LBB2_6-.Ltmp2, $4  }
0x3e: {  	s3 =	sadd.s32 s0, s9;
	[sflag:s17] =	ssyncset.done $0x0  }
0x3f: {  	v8 =	vor.u32 s3, v0;
	s29 =	sadd.s32 $0x30, s3;
	[sflag:s17] =	ssyncadd.s32 $0xFFFFE000  }
0x40: {  	s30 =	sadd.s32 $0x20, s3;
	v9 =	vor.u32 s29, v0;
	[tilespmem:$0x0] =	vst v8  }
0x41: {  	s0 =	sadd.s32 $0x40, s0;
	s3 =	sadd.s32 $0x10, s3;
	v8 =	vor.u32 s30, v0;
	[tilespmem:$0x30] =	vst v9  }
0x42: {  	v9 =	vor.u32 s3, v0;
	[tilespmem:$0x20] =	vst v8  }
0x43: {  	[tilespmem:$0x10] =	vst v9  }
0x44: {  	[spmem:s1] =	stream.indirect.scatter [tilespmem:s19], [sflag:$0x3], $0x80, s4, s18, $0xb8;
	[tilespmem:$0x1D580] =	vst v63  }
0x45: {  	_ =	swait.ge [sflag:s17], $0x2000  }
0x46: {  	[sflag:s17] =	ssyncset.done $0x0  }
0x47: {  	[sflag:s17] =	ssyncadd.s32 $0xFFFFE000  }
0x48: {  	[spmem:s2] =	stream.indirect_vreg.scatter [tilespmem:s20], [sflag:$0x3], $0x80, v1, vm0, $0xb8;
	[tilespmem:$0x1D580] =	vst v63  }
0x49: {  	_ =	swait.ge [sflag:s17], $0x800  }
0x4a: {  	[sflag:s17] =	ssyncset.done $0x0  }
0x4b: {  	[sflag:s17] =	ssyncadd.s32 $0xFFFFF800  }
0x4c: {  	[spmem:s2] =	stream.indirect_vreg.scatter [tilespmem:s20], [sflag:$0x3], $0x80, v2, vm0, $0xb8;
	[tilespmem:$0x1D580] =	vst v63  }
0x4d: {  	_ =	swait.ge [sflag:s17], $0x800  }
0x4e: {  	[sflag:s17] =	ssyncset.done $0x0  }
0x4f: {  	[sflag:s17] =	ssyncadd.s32 $0xFFFFF800  }
0x50: {  	[spmem:s2] =	stream.indirect_vreg.scatter [tilespmem:s20], [sflag:$0x3], $0x80, v3, vm0, $0xb8;
	[tilespmem:$0x1D580] =	vst v63  }
0x51: {  	_ =	swait.ge [sflag:s17], $0x800  }
0x52: {  	[sflag:s17] =	ssyncset.done $0x0  }
0x53: {  	[sflag:s17] =	ssyncadd.s32 $0xFFFFF800  }
0x54: {  	[spmem:s2] =	stream.indirect_vreg.scatter [tilespmem:s20], [sflag:$0x3], $0x80, v4, vm0, $0xb8;
	[tilespmem:$0x1D580] =	vst v63  }
0x55: {  	_ =	swait.ge [sflag:s17], $0x800  }
0x56: {  	[sflag:s17] =	ssyncset.done $0x0  }
0x57: {  	[sflag:s17] =	ssyncadd.s32 $0xFFFFF800  }
0x58: {  	[spmem:s2] =	stream.indirect_vreg.scatter [tilespmem:s20], [sflag:$0x3], $0x80, v5, vm0, $0xb8;
	[tilespmem:$0x1D580] =	vst v63  }
0x59: {  	_ =	swait.ge [sflag:s17], $0x800  }
0x5a: {  	[sflag:s17] =	ssyncset.done $0x0  }
0x5b: {  	[sflag:s17] =	ssyncadd.s32 $0xFFFFF800  }
0x5c: {  	[bflag:$0x0] =	sbarrier.arrive $0xFFFF  }
0x5d: {  	v8 =	vld [tilespmem:$0x6980]  }
0x5e: {  	v9 =	vld [tilespmem:$0x6A00]  }
0x5f: {  	v10 =	vld [tilespmem:$0x6A80]  }
0x60: {  	v11 =	vld [tilespmem:$0x6B00]  }
0x61: {  	v12 =	vld [tilespmem:$0x6B80]  }
0x62: {  	v13 =	vld [tilespmem:$0x6C00]  }
0x63: {  	v14 =	vld [tilespmem:$0x6C80]  }
0x64: {  	s29 =	simm.s32 $0x0;
	s30 =	simm.s32 $0x0;
	v15 =	vld [tilespmem:$0x6D00]  }
.LBB2_8:
0x65: {  	s0 =	sshll.u32 s30, $0x6  }
0x66: {  	s0 =	sadd.s32 s12, s0  }
0x67: {  	s0 =	sshrl.u32 s0, $0x3  }
0x68: {  	s3 =	sadd.s32 s7, s0  }
0x69: {  	[tilespmem:s29], [sflag:$0x3] =	stream.linear.gather [hbm4b:s3+s29], $0x40, $0x38;
	[tilespmem:$0x1D580] =	vst v63  }
0x6a: {  	_ =	swait.ge [sflag:s17], $0x40  }
0x6b: {  	[sflag:s17] =	ssyncset.done $0x0  }
0x6c: {  	s31 =	simm.s32 $0x80;
	s0 =	sadd.s32 s8, s0;
	[sflag:s17] =	ssyncadd.s32 $0xFFFFFFC0  }
0x6d: {  	[tilespmem:s31], [sflag:$0x3] =	stream.linear.gather [hbm4b:s0+s29], $0x40, $0x38;
	[tilespmem:$0x1D580] =	vst v63  }
0x6e: {  	_ =	swait.ge [sflag:s17], $0x40  }
0x6f: {  	[sflag:s17] =	ssyncset.done $0x0  }
0x70: {  	[sflag:s17] =	ssyncadd.s32 $0xFFFFFFC0  }
0x71: {  	[tilespmem:s21], [sflag:$0x1] =	stream.indirect.gather [hbm4b:s5+s18], $0x80, s29, s18, $0xb8;
	[tilespmem:$0x1D580] =	vst v63  }
0x72: {  	_ = 	snop  }
0x73: {  	[tilespmem:s22], [sflag:$0x2] =	stream.indirect.gather [hbm4b:s6+s18], $0x80, s31, s18, $0xb8;
	[tilespmem:$0x1D580] =	vst v63  }
0x74: {  	v16 =	vld [tilespmem:$0x80]  }
0x75: {  	v17 =	vld [tilespmem:$0x90]  }
0x76: {  	v18 =	vld [tilespmem:$0xA0]  }
0x77: {  	v19 =	vld [tilespmem:$0xB0];
	_ =	sdelay $0x1  }
0x78: {  	v16 =	vshra.s32 v16, $0x3  }
0x79: {  	[tilespmem:$0x100] =	vst v16;
	v16 =	vshra.s32 v17, $0x3  }
0x7a: {  	[tilespmem:$0x110] =	vst v16;
	v16 =	vshra.s32 v18, $0x3  }
0x7b: {  	[tilespmem:$0x120] =	vst v16;
	v16 =	vshra.s32 v19, $0x3  }
0x7c: {  	[tilespmem:$0x130] =	vst v16  }
0x7d: {  	_ =	swait.ge [sflag:s23], $0x2000  }
0x7e: {  	[sflag:s23] =	ssyncset.done $0x0  }
0x7f: {  	[sflag:s23] =	ssyncadd.s32 $0xFFFFE000  }
0x80: {  	_ =	swait.ge [sflag:s24], $0x2000  }
0x81: {  	[sflag:s24] =	ssyncset.done $0x0  }
0x82: {  	s0 =	simm.s32 $0x0;
	[sflag:s24] =	ssyncadd.s32 $0xFFFFE000  }
0x83: {  	v16 =	vld [tilespmem:s0+$0x2190]  }
0x84: {  	v17 =	vld [tilespmem:s0+$0x180]  }
0x85: {  	v18 =	vld [tilespmem:s0+$0x190]  }
0x86: {  	v19 =	vld [tilespmem:s0+$0x2180]  }
0x87: {  	v20 =	vld [tilespmem:s0+$0x21A0]  }
0x88: {  	v21 =	vld [tilespmem:s0+$0x1A0]  }
0x89: {  	v22 =	vld [tilespmem:s0+$0x21B0]  }
0x8a: {  	v23 =	vld [tilespmem:s0+$0x1B0];
	_ =	sdelay $0x1  }
0x8b: {  	v24 =	vld [tilespmem:s0+$0x21C0];
	v16 =	vadd.f32 v16, v18;
	v19 =	vadd.f32 v19, v17  }
0x8c: {  	v26 =	vld [tilespmem:s0+$0x1C0]  }
0x8d: {  	v28 =	vld [tilespmem:s0+$0x21D0];
	v20 =	vadd.f32 v20, v21;
	v25 =	vmul.f32 $2.000000030e-01, v16;
	v27 =	vmul.f32 $2.000000030e-01, v19  }
0x8e: {  	v48 =	vld [tilespmem:s0+$0x1D0];
	v22 =	vadd.f32 v22, v23  }
0x8f: {  	v29 =	vld [tilespmem:s0+$0x21E0];
	v49 =	vmul.f32 $2.000000030e-01, v20;
	v16 =	vmax.f32 v16, v25;
	v19 =	vmax.f32 v19, v27  }
0x90: {  	v30 =	vld [tilespmem:s0+$0x1E0];
	v19 =	vmul.f32 v19, v8;
	v16 =	vmul.f32 v16, v9  }
0x91: {  	v31 =	vld [tilespmem:s0+$0x21F0];
	v24 =	vadd.f32 v24, v26;
	v50 =	vmul.f32 $2.000000030e-01, v22;
	v20 =	vmax.f32 v20, v49  }
0x92: {  	v51 =	vld [tilespmem:s0+$0x1F0];
	v16 =	vadd.f32 v16, v19;
	v19 =	vmul.f32 v20, v10  }
0x93: {  	v28 =	vadd.f32 v28, v48;
	v52 =	vmul.f32 $2.000000030e-01, v24;
	v22 =	vmax.f32 v22, v50  }
0x94: {  	v16 =	vadd.f32 v19, v16;
	v19 =	vmul.f32 v22, v11  }
0x95: {  	v55 =	vadd.f32 v29, v30;
	v54 =	vmul.f32 $2.000000030e-01, v28;
	v53 =	vmax.f32 v24, v52  }
0x96: {  	v16 =	vadd.f32 v19, v16;
	v19 =	vmul.f32 v53, v12  }
0x97: {  	v58 =	vadd.f32 v31, v51;
	v57 =	vmul.f32 $2.000000030e-01, v55;
	v56 =	vmax.f32 v28, v54  }
0x98: {  	v16 =	vadd.f32 v19, v16;
	v19 =	vmul.f32 v56, v13  }
0x99: {  	v60 =	vmul.f32 $2.000000030e-01, v58;
	v59 =	vmax.f32 v55, v57  }
0x9a: {  	v16 =	vadd.f32 v19, v16;
	v19 =	vmul.f32 v59, v14  }
0x9b: {  	v61 =	vmax.f32 v58, v60  }
0x9c: {  	v16 =	vadd.f32 v19, v16;
	v19 =	vmul.f32 v61, v15;
	_ =	sdelay $0x1  }
0x9d: {  	v16 =	vadd.f32 v19, v16;
	_ =	sdelay $0x1  }
0x9e: {  	v19 =	vperm.xlane v16, v7;
	_ =	sdelay $0x1  }
0x9f: {  	v16 =	vadd.f32 v16, v19;
	_ =	sdelay $0x1  }
0xa0: {  	v16 =	vmul.f32 $1.442695020e+00, v16;
	_ =	sdelay $0x1  }
0xa1: {  	(erf) = vpow2.f32 v16;
	_ =	sdelay $0x8  }
0xa2: {  	v16 =	vpop (erf)  }
0xa3: {  	v19 =	vmul.f32 v16, v51  }
0xa4: {  	v17 =	vmul.f32 v16, v17  }
0xa5: {  	v62 =	vmul.f32 v16, v30;
	[tilespmem:s0+$0x1F0] =	vst v19  }
0xa6: {  	v63 =	vmul.f32 v16, v48;
	[tilespmem:s0+$0x180] =	vst v17  }
0xa7: {  	v18 =	vmul.f32 v16, v18;
	[tilespmem:s0+$0x1E0] =	vst v62  }
0xa8: {  	v17 =	vmul.f32 v16, v26;
	[tilespmem:s0+$0x1D0] =	vst v63  }
0xa9: {  	v19 =	vmul.f32 v16, v21;
	[tilespmem:s0+$0x190] =	vst v18  }
0xaa: {  	[tilespmem:s0+$0x1C0] =	vst v17;
	v17 =	vmul.f32 v16, v23  }
0xab: {  	[tilespmem:s0+$0x1A0] =	vst v19  }
0xac: {  	[tilespmem:s0+$0x1B0] =	vst v17  }
0xad: {  	v17 =	vld.msk [tilespmem:s31+$0x0], $0x1;
	_ =	sdelay $0x4  }
0xae: {  	s3 =	simm.s32 $0x200;
	(v2sf) =	vpush v17, $0x0  }
.LBB2_9:
0xaf: {  	_ =	sdelay $0x6  }
0xb0: {  	p0 =	sne.s32 s3, $0x7E00  }
0xb1: {  	s31 =	sadd.s32 $0x1, s31;
	s16 =	smov.u32 s3;
	s3 =	sadd.s32 $0x200, s3  }
0xb2: {  	_ =	sdelay $0x4  }
0xb3: {  	s10 =	spop (v2sf)  }
0xb4: {  	s10 =	sand.u32 $0x7, s10  }
0xb5: {  	s10 =	sshll.u32 s10, $0x4  }
0xb6: {  	s10 =	sadd.s32 s0, s10  }
0xb7: {  	s0 =	sshra.s32 s16, $0x2;
	[tilespmem:s10+$0x4180] =	vst v16  }
0xb8: {  	v16 =	vld [tilespmem:s0+$0x2190]  }
0xb9: {  	v17 =	vld [tilespmem:s0+$0x180]  }
0xba: {  	v18 =	vld [tilespmem:s0+$0x190]  }
0xbb: {  	v19 =	vld [tilespmem:s0+$0x2180]  }
0xbc: {  	v20 =	vld [tilespmem:s0+$0x21A0]  }
0xbd: {  	v21 =	vld [tilespmem:s0+$0x1A0]  }
0xbe: {  	v22 =	vld [tilespmem:s0+$0x21B0]  }
0xbf: {  	v16 =	vadd.f32 v16, v18;
	v23 =	vld [tilespmem:s0+$0x1B0]  }
0xc0: {  	v19 =	vadd.f32 v19, v17;
	v24 =	vld [tilespmem:s0+$0x21C0]  }
0xc1: {  	v25 =	vmul.f32 $2.000000030e-01, v16;
	v26 =	vld [tilespmem:s0+$0x1C0]  }
0xc2: {  	v27 =	vmul.f32 $2.000000030e-01, v19;
	v20 =	vadd.f32 v20, v21;
	v28 =	vld [tilespmem:s0+$0x21D0]  }
0xc3: {  	v16 =	vmax.f32 v16, v25;
	v25 =	vld [tilespmem:s0+$0x1D0]  }
0xc4: {  	v19 =	vmax.f32 v19, v27;
	v27 =	vmul.f32 $2.000000030e-01, v20;
	v22 =	vadd.f32 v22, v23;
	v29 =	vld [tilespmem:s0+$0x21E0]  }
0xc5: {  	v16 =	vmul.f32 v16, v9;
	v19 =	vmul.f32 v19, v8;
	v30 =	vld [tilespmem:s0+$0x1E0]  }
0xc6: {  	v20 =	vmax.f32 v20, v27;
	v27 =	vmul.f32 $2.000000030e-01, v22;
	v24 =	vadd.f32 v24, v26;
	v31 =	vld [tilespmem:s0+$0x21F0]  }
0xc7: {  	v16 =	vadd.f32 v16, v19;
	v19 =	vmul.f32 v20, v10;
	v20 =	vld [tilespmem:s0+$0x1F0]  }
0xc8: {  	v22 =	vmax.f32 v22, v27;
	v27 =	vmul.f32 $2.000000030e-01, v24;
	v28 =	vadd.f32 v28, v25  }
0xc9: {  	v16 =	vadd.f32 v19, v16;
	v19 =	vmul.f32 v22, v11  }
0xca: {  	v22 =	vmax.f32 v24, v27;
	v24 =	vmul.f32 $2.000000030e-01, v28;
	v27 =	vadd.f32 v29, v30  }
0xcb: {  	v16 =	vadd.f32 v19, v16;
	v19 =	vmul.f32 v22, v12  }
0xcc: {  	v22 =	vmax.f32 v28, v24;
	v24 =	vmul.f32 $2.000000030e-01, v27;
	v28 =	vadd.f32 v31, v20  }
0xcd: {  	v16 =	vadd.f32 v19, v16;
	v19 =	vmul.f32 v22, v13  }
0xce: {  	v22 =	vmax.f32 v27, v24;
	v24 =	vmul.f32 $2.000000030e-01, v28  }
0xcf: {  	v16 =	vadd.f32 v19, v16;
	v19 =	vmul.f32 v22, v14  }
0xd0: {  	v22 =	vmax.f32 v28, v24  }
0xd1: {  	v16 =	vadd.f32 v19, v16;
	v19 =	vmul.f32 v22, v15;
	_ =	sdelay $0x1  }
0xd2: {  	v16 =	vadd.f32 v19, v16;
	_ =	sdelay $0x1  }
0xd3: {  	v19 =	vperm.xlane v16, v7;
	_ =	sdelay $0x1  }
0xd4: {  	v16 =	vadd.f32 v16, v19;
	_ =	sdelay $0x1  }
0xd5: {  	v16 =	vmul.f32 $1.442695020e+00, v16;
	_ =	sdelay $0x1  }
0xd6: {  	(erf) = vpow2.f32 v16;
	_ =	sdelay $0x8  }
0xd7: {  	v16 =	vpop (erf)  }
0xd8: {  	v17 =	vmul.f32 v16, v17;
	v19 =	vmul.f32 v16, v20  }
0xd9: {  	v20 =	vmul.f32 v16, v21;
	v21 =	vmul.f32 v16, v30  }
0xda: {  	v18 =	vmul.f32 v16, v18;
	v22 =	vmul.f32 v16, v25;
	[tilespmem:s0+$0x1F0] =	vst v19  }
0xdb: {  	v19 =	vmul.f32 v16, v26;
	[tilespmem:s0+$0x180] =	vst v17;
	v17 =	vmul.f32 v16, v23  }
0xdc: {  	[tilespmem:s0+$0x1E0] =	vst v21  }
0xdd: {  	[tilespmem:s0+$0x1C0] =	vst v19  }
0xde: {  	[tilespmem:s0+$0x1A0] =	vst v20  }
0xdf: {  	[tilespmem:s0+$0x1D0] =	vst v22  }
0xe0: {  	[tilespmem:s0+$0x1B0] =	vst v17  }
0xe1: {  	[tilespmem:s0+$0x190] =	vst v18  }
0xe2: {  	v17 =	vld.msk [tilespmem:s31+$0x0], $0x1  }
.Ltmp3:
0xe3: {  	(pc) =	sbr.rel @p0 .LBB2_9-.Ltmp3, $2  }
0xe4: {  	_ =	sdelay $0x2  }
0xe5: {  	(v2sf) =	vpush v17, $0x0  }
0xe6: {  	_ =	sdelay $0xd  }
0xe7: {  	s3 =	spop (v2sf)  }
0xe8: {  	s3 =	sand.u32 $0x7, s3  }
0xe9: {  	s3 =	sshll.u32 s3, $0x4  }
0xea: {  	s0 =	sadd.s32 s0, s3  }
0xeb: {  	[tilespmem:s0+$0x4180] =	vst v16  }
0xec: {  	[spmem:s1] =	stream.indirect.scatter.add.f32 [tilespmem:s21], [sflag:$0x3], $0x80, s25, s18, $0xb8;
	[tilespmem:$0x1D580] =	vst v63  }
0xed: {  	_ =	swait.ge [sflag:s17], $0x2000  }
0xee: {  	[sflag:s17] =	ssyncset.done $0x0  }
0xef: {  	s0 =	simm.s32 $0x4180;
	[sflag:s17] =	ssyncadd.s32 $0xFFFFE000  }
0xf0: {  	[spmem:s2] =	stream.indirect.scatter.add.f32 [tilespmem:s0], [sflag:$0x3], $0x80, s26, s18, $0xb8;
	[tilespmem:$0x1D580] =	vst v63  }
0xf1: {  	_ =	swait.ge [sflag:s17], $0x2000  }
0xf2: {  	[sflag:s17] =	ssyncset.done $0x0  }
0xf3: {  	s10 =	simm.s32 $0x0;
	[sflag:s17] =	ssyncadd.s32 $0xFFFFE000  }
0xf4: {  	v16 =	vld.msk [tilespmem:s10+$0x80], $0x1;
	_ =	sdelay $0x4  }
0xf5: {  	(v2sf) =	vpush v16, $0x0;
	_ =	sdelay $0xe  }
0xf6: {  	s16 =	spop (v2sf)  }
0xf7: {  	s3 =	sand.u32 $0x7, s16  }
0xf8: {  	s3 =	sshll.u32 s3, $0x4  }
0xf9: {  	s10 =	sadd.s32 $0x4180, s3  }
0xfa: {  	s31 =	simm.s32 $0x1;
	s3 =	simm.s32 $0x8;
	[tilespmem:s10+$0x0] =	vst v6  }
.LBB2_11:
0xfb: {  	p0 =	sne.s32 s3, $0xFC;
	v16 =	vld.msk [tilespmem:s31+$0x80], $0x1;
	_ =	sdelay $0x4  }
0xfc: {  	(v2sf) =	vpush v16, $0x0;
	_ =	sdelay $0xe  }
.Ltmp4:
0xfd: {  	s10 =	spop (v2sf);
	(pc) =	sbr.rel @p0 .LBB2_11-.Ltmp4, $4  }
0xfe: {  	s10 =	sand.u32 $0x7, s10  }
0xff: {  	s0 =	sadd.s32 $0x80, s0;
	s10 =	sshll.u32 s10, $0x4  }
0x100: {  	s10 =	sadd.s32 s10, s0  }
0x101: {  	s31 =	sshra.s32 s3, $0x2;
	s3 =	sadd.s32 $0x4, s3;
	[tilespmem:s10+$0x0] =	vst v6  }
0x102: {  	v16 =	vld.msk [tilespmem:s31+$0x80], $0x1;
	_ =	sdelay $0x4  }
0x103: {  	(v2sf) =	vpush v16, $0x0;
	_ =	sdelay $0xc  }
0x104: {  	s30 =	sadd.s32 $0x1, s30  }
0x105: {  	p0 =	sne.s32 s30, $0x9D  }
.Ltmp5:
0x106: {  	s3 =	spop (v2sf);
	(pc) =	sbr.rel @p0 .LBB2_8-.Ltmp5, $4  }
0x107: {  	s3 =	sand.u32 $0x7, s3  }
0x108: {  	s0 =	sadd.s32 $0x80, s0;
	s3 =	sshll.u32 s3, $0x4  }
0x109: {  	s0 =	sadd.s32 s3, s0  }
0x10a: {  	[tilespmem:s0+$0x0] =	vst v6  }
0x10b: {  	[bflag:$0x0] =	sbarrier.arrive $0xFFFF;
	s0 =	sadd.s32 $0x30, s9;
	v8 =	vor.u32 s9, v0  }
0x10c: {  	s3 =	sadd.s32 $0x10, s9;
	[tilespmem:$0x0] =	vst v8;
	v8 =	vor.u32 s0, v0  }
0x10d: {  	s30 =	sadd.s32 $0x20, s9;
	v9 =	vor.u32 s3, v0;
	[tilespmem:$0x30] =	vst v8  }
0x10e: {  	v8 =	vor.u32 s30, v0;
	[tilespmem:$0x10] =	vst v9  }
0x10f: {  	s0 =	simm.s32 $0x0;
	[tilespmem:$0x20] =	vst v8  }
0x110: {  	[tilespmem:s19], [sflag:$0x3] =	stream.indirect.gather [spmem:s1], $0x80, s0, s18, $0xb8;
	[tilespmem:$0x1D580] =	vst v63  }
0x111: {  	_ =	swait.ge [sflag:s17], $0x2000  }
0x112: {  	s31 =	sadd.s32 $0x0, s14;
	[sflag:s17] =	ssyncset.done $0x0  }
0x113: {  	s29 =	smov.u32 s9;
	s3 =	simm.s32 $0x400;
	[sflag:s17] =	ssyncadd.s32 $0xFFFFE000  }
0x114: {  	[hbm4b:s31+s0] =	stream.linear.scatter [tilespmem:s19], [sflag:$0x3], $0x2000, $0x38;
	[tilespmem:$0x1D580] =	vst v63  }
.LBB2_14:
0x115: {  	p0 =	sne.s32 s3, $0x2400  }
0x116: {  	_ =	swait.ge [sflag:s17], $0x2000;
	s29 =	sadd.s32 $0x40, s29;
	s10 =	smov.u32 s3  }
0x117: {  	s3 =	sadd.s32 $0x400, s3;
	s16 =	sadd.s32 $0x30, s29;
	[sflag:s17] =	ssyncset.done $0x0  }
0x118: {  	v8 =	vor.u32 s29, v0;
	s30 =	sadd.s32 $0x10, s29;
	s31 =	sadd.s32 $0x20, s29;
	[sflag:s17] =	ssyncadd.s32 $0xFFFFE000  }
0x119: {  	v9 =	vor.u32 s31, v0;
	v10 =	vor.u32 s16, v0;
	[tilespmem:$0x0] =	vst v8;
	v8 =	vor.u32 s30, v0  }
0x11a: {  	[tilespmem:$0x30] =	vst v10  }
0x11b: {  	[tilespmem:$0x10] =	vst v8  }
0x11c: {  	[tilespmem:$0x20] =	vst v9  }
0x11d: {  	[tilespmem:s19], [sflag:$0x3] =	stream.indirect.gather [spmem:s1], $0x80, s0, s18, $0xb8;
	[tilespmem:$0x1D580] =	vst v63  }
.Ltmp6:
0x11e: {  	_ = 	snop;
	(pc) =	sbr.rel @p0 .LBB2_14-.Ltmp6, $4  }
0x11f: {  	_ =	swait.ge [sflag:s17], $0x2000  }
0x120: {  	s10 =	sadd.s32 s10, s14;
	[sflag:s17] =	ssyncset.done $0x0  }
0x121: {  	[sflag:s17] =	ssyncadd.s32 $0xFFFFE000  }
0x122: {  	[hbm4b:s10+s0] =	stream.linear.scatter [tilespmem:s19], [sflag:$0x3], $0x2000, $0x38;
	[tilespmem:$0x1D580] =	vst v63  }
0x123: {  	s0 =	sadd.s32 $0x0, s11  }
0x124: {  	v8 =	vor.u32 s0, v0;
	_ =	sdelay $0x1  }
0x125: {  	_ =	swait.ge [sflag:s17], $0x2000  }
0x126: {  	[sflag:s17] =	ssyncset.done $0x0  }
0x127: {  	[sflag:s17] =	ssyncadd.s32 $0xFFFFE000  }
0x128: {  	[tilespmem:s20], [sflag:$0x3] =	stream.indirect_vreg.gather [spmem:s2], $0x80, v8, vm0, $0xb8;
	[tilespmem:$0x1D580] =	vst v63  }
0x129: {  	_ =	swait.ge [sflag:s17], $0x800  }
0x12a: {  	[sflag:s17] =	ssyncset.done $0x0  }
0x12b: {  	s31 =	sadd.s32 $0x10, s11;
	[sflag:s17] =	ssyncadd.s32 $0xFFFFF800  }
0x12c: {  	v8 =	vor.u32 s31, v0;
	[hbm4b:s15+s4] =	stream.linear.scatter [tilespmem:s20], [sflag:$0x3], $0x800, $0x38;
	[tilespmem:$0x1D580] =	vst v63  }
0x12d: {  	_ =	swait.ge [sflag:s17], $0x800  }
0x12e: {  	s3 =	simm.s32 $0x20;
	s0 =	smov.u32 s15;
	[sflag:s17] =	ssyncset.done $0x0  }
.LBB2_16:
0x12f: {  	[sflag:s17] =	ssyncadd.s32 $0xFFFFF800  }
0x130: {  	s0 =	sadd.s32 $0x100, s0;
	s10 =	smov.u32 s3;
	s16 =	sadd.s32 $0x10, s3  }
0x131: {  	[tilespmem:s20], [sflag:$0x3] =	stream.indirect_vreg.gather [spmem:s2], $0x80, v8, vm0, $0xb8;
	[tilespmem:$0x1D580] =	vst v63  }
0x132: {  	p0 =	sne.s32 s3, $0x40;
	_ =	swait.ge [sflag:s17], $0x800  }
.Ltmp7:
0x133: {  	s3 =	sadd.s32 s10, s11;
	[sflag:s17] =	ssyncset.done $0x0;
	(pc) =	sbr.rel @p0 .LBB2_16-.Ltmp7, $4  }
0x134: {  	v8 =	vor.u32 s3, v0;
	[sflag:s17] =	ssyncadd.s32 $0xFFFFF800  }
0x135: {  	[hbm4b:s0+s4] =	stream.linear.scatter [tilespmem:s20], [sflag:$0x3], $0x800, $0x38;
	[tilespmem:$0x1D580] =	vst v63  }
0x136: {  	_ =	swait.ge [sflag:s17], $0x800  }
0x137: {  	s3 =	smov.u32 s16;
	[sflag:s17] =	ssyncset.done $0x0  }
0x138: {  	_ =	sdelay $0x2  }
0x139: {  	[sflag:s17] =	ssyncadd.s32 $0xFFFFF800  }
0x13a: {  	[tilespmem:s20], [sflag:$0x3] =	stream.indirect_vreg.gather [spmem:s2], $0x80, v8, vm0, $0xb8;
	[tilespmem:$0x1D580] =	vst v63  }
0x13b: {  	s28 =	sadd.s32 $0x1, s28;
	_ =	swait.ge [sflag:s17], $0x800  }
0x13c: {  	p0 =	sne.s32 s28, s13;
	[sflag:s17] =	ssyncset.done $0x0  }
.Ltmp8:
0x13d: {  	s0 =	sadd.s32 $0x100, s0;
	[sflag:s17] =	ssyncadd.s32 $0xFFFFF800;
	(pc) =	sbr.rel @p0 .LBB2_1-.Ltmp8, $4  }
0x13e: {  	[hbm4b:s0+s4] =	stream.linear.scatter [tilespmem:s20], [sflag:$0x3], $0x800, $0x38;
	[tilespmem:$0x1D580] =	vst v63  }
0x13f: {  	_ =	swait.ge [sflag:s17], $0x800  }
0x140: {  	[sflag:s17] =	ssyncset.done $0x0  }
0x141: {  	[sflag:s17] =	ssyncadd.s32 $0xFFFFF800  }
0x142: {  	_ =	sfence.sel $0x180000  }
0x143: {  	[bflag:$0x0] =	sbarrier.arrive $0xFFFF  }
0x144: {  	_ =	strace $0x90000047  }
0x145: {  	s0 =	stileid.u32;
	[bflag:$0x2] =	sbarrier.arrive $0xFFFF  }
0x146: {  	p0 =	sne.s32 s0, $0x0;
	s0 =	rddreg [dreg:$0x4]  }
0x147: {  	s0 =	sadd.s32 @!p0 $0x100000, s0  }
0x148: {  	[sflag:s0] =	ssyncadd.tile.s32 @!p0 $0x1;
	_ =	shalt  }
.Lfunc_end2:
_tile_overlayer_lowered:
.L_overlay_start_2:
0x149: {  	(tag) =	ssettag $0x2  }
0x14a: {  	s0 =	rddreg [dreg:$0x0];
	s2 =	stileid.u32  }
0x14b: {  	s1 =	rddreg [dreg:$0x1];
	p0 =	sne.s32 s2, $0x0  }
0x14c: {  	s3 =	rddreg [dreg:$0x2];
	[bflag:$0x3] =	sbarrier.arrive $0xFFFF;
	s2 =	simm.s32 @!p0 $0x1C03  }
0x14d: {  	[timem:s3], [sflag:s2] =	dma.local @!p0 [hbm:s0], s1  }
0x14e: {  	s0 =	simm.s32 @!p0 $0x3  }
0x14f: {  	_ =	swait.ge @!p0 [sflag:s0], s1  }
0x150: {  	s1 =	ssub.s32 @!p0 $0x0, s1;
	[sflag:s0] =	ssyncset.done @!p0 $0x0  }
0x151: {  	[sflag:s0] =	ssyncadd.s32 @!p0 s1  }
0x152: {  	[bflag:$0x3] =	sbarrier.arrive $0xFFFF  }
0x153: {  	_ =	shalt  }

</sc_bundles>
